<compile_context>
chip_gen: v7x
topology: tpu7x:2x2x1
jax: 0.10.2.dev20260603
libtpu: 0.0.44.dev20260713+nightly
codegen_flags: <defaults>
</compile_context>

<pallas_src>
import functools

import jax
import jax.numpy as jnp
from jax import lax
from jax.experimental import pallas as pl
from jax.experimental.pallas import tpu as pltpu
from jax.experimental.pallas import tpu_sc as plsc

B_, LQ, DIM = 16, 32, 128
ND, LD = 4096, 32
NT = ND * LD
NQ = ND // 4
QW = 4 * LD
R = B_ * LQ
TOPP, TOPK = 32, 10
TILE_T = 4096
TILE_D = TILE_T // LD
TILE_Q = TILE_D // 4
NTILES = NT // TILE_T
NEG = float("-inf")
BIGI = 2**31 - 1



def _a_body(q_ref, v_ref, sim_ref, dmax_ref, darg_ref, qmax_ref, qarg_ref):
    i = pl.program_id(0)
    q = q_ref[...]
    v = v_ref[...]
    dims = (((1,), (1,)), ((), ()))
    s = lax.dot_general(q, v, dims, preferred_element_type=jnp.float32)
    for g in range(TILE_Q):
        sim_ref[:, 0, g * 8:(g + 1) * 8, :] = (
            s[:, g * QW:(g + 1) * QW].reshape(R // 8, 8, QW))
    st = lax.dot_general(v, q, dims, preferred_element_type=jnp.float32)
    s3 = st.reshape(TILE_D, LD, R)
    dm = s3.max(axis=1)
    dmax_ref[...] = dm
    li = lax.broadcasted_iota(jnp.int32, (TILE_D, LD, R), 1)
    lmin = jnp.where(s3 == dm[:, None, :], li, BIGI).min(axis=1)
    dl = lax.broadcasted_iota(jnp.int32, (TILE_D, R), 0)
    da = i * TILE_T + dl * LD + lmin
    darg_ref[...] = da
    dm4 = dm.reshape(TILE_Q, 4, R)
    da4 = da.reshape(TILE_Q, 4, R)
    qm = dm4.max(axis=1)
    qmax_ref[...] = qm
    qarg_ref[...] = jnp.where(dm4 == qm[:, None, :], da4, BIGI).min(axis=1)


_stage_a = pl.pallas_call(
    _a_body,
    grid=(NTILES,),
    in_specs=[
        pl.BlockSpec((R, DIM), lambda i: (0, 0)),
        pl.BlockSpec((TILE_T, DIM), lambda i: (i, 0)),
    ],
    out_specs=[
        pl.BlockSpec((R // 8, 1, 8 * TILE_Q, QW), lambda i: (0, i, 0, 0)),
        pl.BlockSpec((TILE_D, R), lambda i: (i, 0)),
        pl.BlockSpec((TILE_D, R), lambda i: (i, 0)),
        pl.BlockSpec((TILE_Q, R), lambda i: (i, 0)),
        pl.BlockSpec((TILE_Q, R), lambda i: (i, 0)),
    ],
    out_shape=[
        jax.ShapeDtypeStruct((R // 8, NTILES, 8 * TILE_Q, QW), jnp.float32),
        jax.ShapeDtypeStruct((ND, R), jnp.float32),
        jax.ShapeDtypeStruct((ND, R), jnp.int32),
        jax.ShapeDtypeStruct((NQ, R), jnp.float32),
        jax.ShapeDtypeStruct((NQ, R), jnp.int32),
    ],
    compiler_params=pltpu.CompilerParams(
        dimension_semantics=("arbitrary",),
    ),
)



RB = 256
NRB = R // RB


def _b_body(qmax_ref, qarg_ref, ids_ref, vals_scr):
    vals_scr[...] = qmax_ref[...]
    args = qarg_ref[...]
    qio = lax.broadcasted_iota(jnp.int32, (RB, NQ), 1)
    jio = lax.broadcasted_iota(jnp.int32, (RB, TOPP), 1)

    def step(j, acc):
        vals = vals_scr[...]
        m = vals.max(axis=1, keepdims=True)
        a = jnp.where(vals == m, args, BIGI).min(axis=1, keepdims=True)
        qj = lax.shift_right_logical(a, 7)
        vals_scr[...] = jnp.where(qio == qj, NEG, vals)
        return jnp.where(jio == j, qj, acc)

    ids_ref[...] = lax.fori_loop(0, TOPP, step,
                                 jnp.zeros((RB, TOPP), jnp.int32))


_stage_b = pl.pallas_call(
    _b_body,
    grid=(NRB,),
    in_specs=[
        pl.BlockSpec((RB, NQ), lambda i: (i, 0)),
        pl.BlockSpec((RB, NQ), lambda i: (i, 0)),
    ],
    out_specs=pl.BlockSpec((RB, TOPP), lambda i: (i, 0)),
    out_shape=jax.ShapeDtypeStruct((R, TOPP), jnp.int32),
    scratch_shapes=[pltpu.VMEM((RB, NQ), jnp.float32)],
    compiler_params=pltpu.CompilerParams(
        dimension_semantics=("arbitrary",),
    ),
)



_NW = 32
_PER_W = (R * TOPP) // _NW
_CHUNK = 128
_NCH = _PER_W // _CHUNK


def _c_body(table_hbm, idx_hbm, out_hbm, idx_v, rows_v, sem):
    wid = lax.axis_index("s") * 2 + lax.axis_index("c")
    base = wid * _PER_W
    for c in range(_NCH):
        pltpu.sync_copy(idx_hbm.at[pl.ds(base + c * _CHUNK, _CHUNK)],
                        idx_v.at[c])
    copies = [pltpu.async_copy(table_hbm.at[idx_v.at[c]], rows_v.at[c], sem)
              for c in range(_NCH)]
    for c in range(_NCH):
        copies[c].wait()
        pltpu.sync_copy(rows_v.at[c],
                        out_hbm.at[pl.ds(base + c * _CHUNK, _CHUNK)])


@functools.cache
def _gather_sc_built():
    return functools.partial(
        pl.kernel,
        mesh=plsc.VectorSubcoreMesh(core_axis_name="c", subcore_axis_name="s"),
        out_type=jax.ShapeDtypeStruct((R * TOPP, QW), jnp.float32),
        scratch_types=[
            pltpu.VMEM((_NCH, _CHUNK), jnp.int32),
            pltpu.VMEM((_NCH, _CHUNK, QW), jnp.float32),
            pltpu.SemaphoreType.DMA,
        ],
    )(_c_body)


def _gather_sc(table, idx):
    return _gather_sc_built()(table, idx)



KPAD = 128
GW = TOPP * QW


RD = 512


def _d_body(gat_ref, qid_ref, dmax_ref, darg_ref, sc_ref, pid_ref, gv_scr):
    gv_scr[...] = gat_ref[...]
    qd = qid_ref[...]
    lio = lax.broadcasted_iota(jnp.int32, (RD, TOPP, QW), 2)
    gi = (qd[:, :, None] * QW + lio).reshape(RD, GW)

    def tstep(j, carry):
        gv = gv_scr[...]
        m = gv.max(axis=1, keepdims=True)
        a = jnp.where(gv == m, gi, BIGI).min(axis=1, keepdims=True)
        gv_scr[...] = jnp.where(gi == a, NEG, gv)
        return (m, a)

    tv, ti = lax.fori_loop(
        0, TOPP, tstep,
        (jnp.zeros((RD, 1), jnp.float32), jnp.zeros((RD, 1), jnp.int32)))
    dmax = dmax_ref[...]
    darg = darg_ref[...]
    ge = ((dmax > tv) | ((dmax == tv) & (darg <= ti))).astype(jnp.int32)
    nb = RD // LQ
    mask = ge.reshape(nb, LQ, ND).max(axis=1)
    s_all = dmax.reshape(nb, LQ, ND).sum(axis=1)
    s0 = jnp.where(mask > 0, s_all, NEG)
    pio = lax.broadcasted_iota(jnp.int32, (nb, ND), 1)
    kio = lax.broadcasted_iota(jnp.int32, (nb, KPAD), 1)

    def kstep(j, carry):
        s, accs, accp = carry
        m = s.max(axis=1, keepdims=True)
        pd = jnp.where(s == m, pio, BIGI).min(axis=1, keepdims=True)
        accs = jnp.where(kio == j, m, accs)
        accp = jnp.where(kio == j, jnp.where(m == NEG, -1, pd), accp)
        s = jnp.where(pio == pd, NEG, s)
        return (s, accs, accp)

    _, accs, accp = lax.fori_loop(
        0, TOPK, kstep,
        (s0, jnp.zeros((nb, KPAD), jnp.float32), jnp.zeros((nb, KPAD), jnp.int32)))
    sc_ref[...] = accs.reshape(RD // LQ, 1, KPAD)
    pid_ref[...] = accp.reshape(RD // LQ, 1, KPAD)


_stage_d = pl.pallas_call(
    _d_body,
    grid=(R // RD,),
    in_specs=[
        pl.BlockSpec((RD, GW), lambda i: (i, 0)),
        pl.BlockSpec((RD, TOPP), lambda i: (i, 0)),
        pl.BlockSpec((RD, ND), lambda i: (i, 0)),
        pl.BlockSpec((RD, ND), lambda i: (i, 0)),
    ],
    out_specs=[
        pl.BlockSpec((RD // LQ, 1, KPAD), lambda i: (i, 0, 0)),
        pl.BlockSpec((RD // LQ, 1, KPAD), lambda i: (i, 0, 0)),
    ],
    out_shape=[
        jax.ShapeDtypeStruct((B_, 1, KPAD), jnp.float32),
        jax.ShapeDtypeStruct((B_, 1, KPAD), jnp.int32),
    ],
    scratch_shapes=[pltpu.VMEM((RD, GW), jnp.float32)],
    compiler_params=pltpu.CompilerParams(
        dimension_semantics=("arbitrary",),
    ),
)



def kernel(q_vectors, vectors, emb2pid, p, k):
    q = jnp.where(jnp.isnan(q_vectors), 0.0, q_vectors)
    qs = q.reshape(R, DIM)
    sim, dmax_t, darg_t, qmax_t, qarg_t = _stage_a(qs, vectors)
    quad_ids = _stage_b(qmax_t.T, qarg_t.T)
    r_col = jnp.arange(R, dtype=jnp.int32)[:, None]
    c_idx = ((r_col >> 3) * (NQ * 8) + (quad_ids >> 4) * QW
             + (quad_ids & 15) * 8 + (r_col & 7)).reshape(-1)
    gathered = _gather_sc(sim.reshape(R * NQ, QW), c_idx)
    gat = gathered.reshape(R, GW)
    scores, pids = _stage_d(gat, quad_ids, dmax_t.T, darg_t.T)
    return scores[:, 0, :TOPK], pids[:, 0, :TOPK]

# --- scband reference (transcript-rebuilt; emitter-appended) ---
"""Pipeline reference for scband-max-sim-35253091566254 (READ-ONLY COPY).

The authoritative reference and input builder live on the scoring server;
editing this copy changes nothing except your own understanding.
"""

import jax, jax.numpy as jnp
import numpy as np

B, LQ, D = 16, 32, 128
N_DOCS, LD = 4096, 32
N_TOKENS = N_DOCS * LD
P, K = 32, 10


def setup_inputs(seed: int = 0) -> dict:
    key = jax.random.key(seed)
    k1, k2 = jax.random.split(key)
    q_vectors = jax.random.normal(k1, (B, LQ, D), dtype=jnp.float32)
    vectors = jax.random.normal(k2, (N_TOKENS, D), dtype=jnp.float32)
    # emb2pid maps each token embedding row to its passage id (Ld tokens per doc)
    emb2pid = (jnp.arange(N_TOKENS, dtype=jnp.int32) // LD).astype(jnp.int32)
    return {"q_vectors": q_vectors, "vectors": vectors, "emb2pid": emb2pid, "p": P, "k": K}


def reference(q_vectors, vectors, emb2pid, p, k):
    # q_vectors[q_vectors != q_vectors] = 0  (NaN scrub)
    q = jnp.where(jnp.isnan(q_vectors), 0.0, q_vectors)
    B_, Lq, d = q.shape
    # --- FaissWorker step: exact inner-product token search, top-p token ids ---
    qs = q.reshape(B_ * Lq, d)
    sim = qs @ vectors.T                      # [B*Lq, n_tokens]
    _, token_ids = jax.lax.top_k(sim, P)      # [B*Lq, p]
    token_ids = token_ids + (p * 0)
    token_ids = token_ids.reshape(B_, Lq * P)
    # emb2pid = cat([emb2pid, -1]) so token_id == -1 maps to pid -1
    e2p = jnp.concatenate([emb2pid, -jnp.ones((1,), dtype=emb2pid.dtype)])
    pids = jnp.take(e2p, token_ids, axis=0)   # [B, Lq*p]
    # --- get_unique_pids: per-row dedup, duplicates padded with -1 ---
    pids_sorted = jnp.sort(pids, axis=-1)
    dup = jnp.concatenate([jnp.zeros((B_, 1), dtype=bool), pids_sorted[:, 1:] == pids_sorted[:, :-1]], axis=-1)
    pids_unique = jnp.where(dup, -1, pids_sorted)  # [B, n_cand], -1 = padding
    # --- MaxSimRanker: score each candidate pid ---
    n_docs = emb2pid.shape[0] // LD
    Ld = vectors.shape[0] // n_docs
    docs = vectors.reshape(n_docs, Ld, d)
    safe = jnp.where(pids_unique < 0, 0, pids_unique)
    dvecs = jnp.take(docs, safe, axis=0)       # [B, n_cand, Ld, d]
    s = jnp.einsum('bqd,bcld->bcql', q, dvecs) # [B, n_cand, Lq, Ld]
    s = s.max(axis=-1).sum(axis=-1)            # MaxSim: max over doc tokens, sum over query tokens
    s = jnp.where(pids_unique < 0, -jnp.inf, s)
    # --- MaxSimReducer: final top-k pids ---
    topk_scores, topk_idx = jax.lax.top_k(s, K)
    topk_idx = topk_idx + (k * 0)
    topk_pids = jnp.take_along_axis(pids_unique, topk_idx, axis=-1)
    return topk_scores, topk_pids

if __name__ == "__main__":
    import jax
    _d = setup_inputs()
    print(jax.jit(kernel)(*tuple(_d.values())))

</pallas_src>

<mosaic_0001>
#map = affine_map<(d0, d1) -> (0, 0)>
#map1 = affine_map<(d0, d1) -> (0)>
module attributes {stable_mosaic.version = 14 : i64} {
  func.func @_c_body(%arg0: i32, %arg1: i32, %arg2: memref<524288x128xf32, #tpu.memory_space<hbm>>, %arg3: memref<16384xi32, #tpu.memory_space<hbm>>, %arg4: memref<16384x128xf32, #tpu.memory_space<hbm>>, %arg5: memref<4x128xi32, #tpu.memory_space<vmem>>, %arg6: memref<4x128x128xf32, #tpu.memory_space<vmem>>, %arg7: memref<!tpu.dma_semaphore, #tpu.memory_space<semaphore_mem>>) attributes {dimension_semantics = [#tpu.dimension_semantics<core_parallel>, #tpu.dimension_semantics<subcore_parallel>], iteration_bounds = array<i64: 2, 16>, scalar_prefetch = 0 : i64, scratch_operands = 3 : i64, tpu.core_type = #tpu.core_type<sc_vector_subcore>, window_params = [{transform_indices = #map}, {transform_indices = #map1}, {transform_indices = #map}]} {
    %mul3A = arith.constant 2 : i32
    %mul3A_0 = arith.muli %arg1, %mul3A : i32
    %add3A = arith.addi %mul3A_0, %arg0 : i32
    %mul3A_1 = arith.constant 512 : i32
    %mul3A_2 = arith.muli %add3A, %mul3A_1 : i32
    %add3A_3 = arith.constant 0 : i32
    %add3A_4 = arith.addi %mul3A_2, %add3A_3 : i32
    %run_scoped3A = arith.constant 0 : i32
    "tpu.region"() ({
      %run_scoped3A_120 = tpu.sem_alloc : memref<!tpu.dma_semaphore, #tpu.memory_space<semaphore_mem>>
      %dma_start3A_121 = arith.constant 0 : i32
      %dma_start3A_122 = tpu.memref_slice %arg5[%run_scoped3A, %dma_start3A_121] : memref<4x128xi32, #tpu.memory_space<vmem>> -> memref<1x128xi32, #tpu.memory_space<vmem>>
      %dma_start3A_123 = tpu.memref_squeeze %dma_start3A_122 : memref<1x128xi32, #tpu.memory_space<vmem>> -> memref<128xi32, #tpu.memory_space<vmem>>
      %dma_start3A_124 = tpu.memref_slice %arg3[%add3A_4] : memref<16384xi32, #tpu.memory_space<hbm>> -> memref<128xi32, #tpu.memory_space<hbm>>
      %dma_start3A_125 = arith.constant 0 : i32
      %dma_start3A_126 = tpu.memref_slice %arg5[%run_scoped3A, %dma_start3A_125] : memref<4x128xi32, #tpu.memory_space<vmem>> -> memref<1x128xi32, #tpu.memory_space<vmem>>
      %dma_start3A_127 = tpu.memref_squeeze %dma_start3A_126 : memref<1x128xi32, #tpu.memory_space<vmem>> -> memref<128xi32, #tpu.memory_space<vmem>>
      %dma_start3A_128 = tpu.memref_slice %arg3[%add3A_4] : memref<16384xi32, #tpu.memory_space<hbm>> -> memref<128xi32, #tpu.memory_space<hbm>>
      tpu.enqueue_dma source(%dma_start3A_128 : memref<128xi32, #tpu.memory_space<hbm>>) target(%dma_start3A_127 : memref<128xi32, #tpu.memory_space<vmem>>) target_semaphore(%run_scoped3A_120 : memref<!tpu.dma_semaphore, #tpu.memory_space<semaphore_mem>>)
      %dma_wait3A_129 = arith.constant 0 : i32
      %dma_wait3A_130 = tpu.memref_slice %arg5[%run_scoped3A, %dma_wait3A_129] : memref<4x128xi32, #tpu.memory_space<vmem>> -> memref<1x128xi32, #tpu.memory_space<vmem>>
      %dma_wait3A_131 = tpu.memref_squeeze %dma_wait3A_130 : memref<1x128xi32, #tpu.memory_space<vmem>> -> memref<128xi32, #tpu.memory_space<vmem>>
      %dma_wait3A_132 = tpu.memref_slice %arg3[%add3A_4] : memref<16384xi32, #tpu.memory_space<hbm>> -> memref<128xi32, #tpu.memory_space<hbm>>
      %dma_wait3A_133 = arith.constant 0 : i32
      %dma_wait3A_134 = tpu.memref_slice %arg5[%run_scoped3A, %dma_wait3A_133] : memref<4x128xi32, #tpu.memory_space<vmem>> -> memref<1x128xi32, #tpu.memory_space<vmem>>
      %dma_wait3A_135 = tpu.memref_squeeze %dma_wait3A_134 : memref<1x128xi32, #tpu.memory_space<vmem>> -> memref<128xi32, #tpu.memory_space<vmem>>
      %dma_wait3A_136 = tpu.memref_slice %arg3[%add3A_4] : memref<16384xi32, #tpu.memory_space<hbm>> -> memref<128xi32, #tpu.memory_space<hbm>>
      tpu.wait_dma2 semaphore(%run_scoped3A_120 : memref<!tpu.dma_semaphore, #tpu.memory_space<semaphore_mem>>) src(%dma_wait3A_136 : memref<128xi32, #tpu.memory_space<hbm>>) dst(%dma_wait3A_135 : memref<128xi32, #tpu.memory_space<vmem>>)
      tpu.yield
    }) : () -> ()
    %add3A_5 = arith.constant 128 : i32
    %add3A_6 = arith.addi %mul3A_2, %add3A_5 : i32
    %run_scoped3A_7 = arith.constant 1 : i32
    "tpu.region"() ({
      %run_scoped3A_120 = tpu.sem_alloc : memref<!tpu.dma_semaphore, #tpu.memory_space<semaphore_mem>>
      %dma_start3A_121 = arith.constant 0 : i32
      %dma_start3A_122 = tpu.memref_slice %arg5[%run_scoped3A_7, %dma_start3A_121] : memref<4x128xi32, #tpu.memory_space<vmem>> -> memref<1x128xi32, #tpu.memory_space<vmem>>
      %dma_start3A_123 = tpu.memref_squeeze %dma_start3A_122 : memref<1x128xi32, #tpu.memory_space<vmem>> -> memref<128xi32, #tpu.memory_space<vmem>>
      %dma_start3A_124 = tpu.memref_slice %arg3[%add3A_6] : memref<16384xi32, #tpu.memory_space<hbm>> -> memref<128xi32, #tpu.memory_space<hbm>>
      %dma_start3A_125 = arith.constant 0 : i32
      %dma_start3A_126 = tpu.memref_slice %arg5[%run_scoped3A_7, %dma_start3A_125] : memref<4x128xi32, #tpu.memory_space<vmem>> -> memref<1x128xi32, #tpu.memory_space<vmem>>
      %dma_start3A_127 = tpu.memref_squeeze %dma_start3A_126 : memref<1x128xi32, #tpu.memory_space<vmem>> -> memref<128xi32, #tpu.memory_space<vmem>>
      %dma_start3A_128 = tpu.memref_slice %arg3[%add3A_6] : memref<16384xi32, #tpu.memory_space<hbm>> -> memref<128xi32, #tpu.memory_space<hbm>>
      tpu.enqueue_dma source(%dma_start3A_128 : memref<128xi32, #tpu.memory_space<hbm>>) target(%dma_start3A_127 : memref<128xi32, #tpu.memory_space<vmem>>) target_semaphore(%run_scoped3A_120 : memref<!tpu.dma_semaphore, #tpu.memory_space<semaphore_mem>>)
      %dma_wait3A_129 = arith.constant 0 : i32
      %dma_wait3A_130 = tpu.memref_slice %arg5[%run_scoped3A_7, %dma_wait3A_129] : memref<4x128xi32, #tpu.memory_space<vmem>> -> memref<1x128xi32, #tpu.memory_space<vmem>>
      %dma_wait3A_131 = tpu.memref_squeeze %dma_wait3A_130 : memref<1x128xi32, #tpu.memory_space<vmem>> -> memref<128xi32, #tpu.memory_space<vmem>>
      %dma_wait3A_132 = tpu.memref_slice %arg3[%add3A_6] : memref<16384xi32, #tpu.memory_space<hbm>> -> memref<128xi32, #tpu.memory_space<hbm>>
      %dma_wait3A_133 = arith.constant 0 : i32
      %dma_wait3A_134 = tpu.memref_slice %arg5[%run_scoped3A_7, %dma_wait3A_133] : memref<4x128xi32, #tpu.memory_space<vmem>> -> memref<1x128xi32, #tpu.memory_space<vmem>>
      %dma_wait3A_135 = tpu.memref_squeeze %dma_wait3A_134 : memref<1x128xi32, #tpu.memory_space<vmem>> -> memref<128xi32, #tpu.memory_space<vmem>>
      %dma_wait3A_136 = tpu.memref_slice %arg3[%add3A_6] : memref<16384xi32, #tpu.memory_space<hbm>> -> memref<128xi32, #tpu.memory_space<hbm>>
      tpu.wait_dma2 semaphore(%run_scoped3A_120 : memref<!tpu.dma_semaphore, #tpu.memory_space<semaphore_mem>>) src(%dma_wait3A_136 : memref<128xi32, #tpu.memory_space<hbm>>) dst(%dma_wait3A_135 : memref<128xi32, #tpu.memory_space<vmem>>)
      tpu.yield
    }) : () -> ()
    %add3A_8 = arith.constant 256 : i32
    %add3A_9 = arith.addi %mul3A_2, %add3A_8 : i32
    %run_scoped3A_10 = arith.constant 2 : i32
    "tpu.region"() ({
      %run_scoped3A_120 = tpu.sem_alloc : memref<!tpu.dma_semaphore, #tpu.memory_space<semaphore_mem>>
      %dma_start3A_121 = arith.constant 0 : i32
      %dma_start3A_122 = tpu.memref_slice %arg5[%run_scoped3A_10, %dma_start3A_121] : memref<4x128xi32, #tpu.memory_space<vmem>> -> memref<1x128xi32, #tpu.memory_space<vmem>>
      %dma_start3A_123 = tpu.memref_squeeze %dma_start3A_122 : memref<1x128xi32, #tpu.memory_space<vmem>> -> memref<128xi32, #tpu.memory_space<vmem>>
      %dma_start3A_124 = tpu.memref_slice %arg3[%add3A_9] : memref<16384xi32, #tpu.memory_space<hbm>> -> memref<128xi32, #tpu.memory_space<hbm>>
      %dma_start3A_125 = arith.constant 0 : i32
      %dma_start3A_126 = tpu.memref_slice %arg5[%run_scoped3A_10, %dma_start3A_125] : memref<4x128xi32, #tpu.memory_space<vmem>> -> memref<1x128xi32, #tpu.memory_space<vmem>>
      %dma_start3A_127 = tpu.memref_squeeze %dma_start3A_126 : memref<1x128xi32, #tpu.memory_space<vmem>> -> memref<128xi32, #tpu.memory_space<vmem>>
      %dma_start3A_128 = tpu.memref_slice %arg3[%add3A_9] : memref<16384xi32, #tpu.memory_space<hbm>> -> memref<128xi32, #tpu.memory_space<hbm>>
      tpu.enqueue_dma source(%dma_start3A_128 : memref<128xi32, #tpu.memory_space<hbm>>) target(%dma_start3A_127 : memref<128xi32, #tpu.memory_space<vmem>>) target_semaphore(%run_scoped3A_120 : memref<!tpu.dma_semaphore, #tpu.memory_space<semaphore_mem>>)
      %dma_wait3A_129 = arith.constant 0 : i32
      %dma_wait3A_130 = tpu.memref_slice %arg5[%run_scoped3A_10, %dma_wait3A_129] : memref<4x128xi32, #tpu.memory_space<vmem>> -> memref<1x128xi32, #tpu.memory_space<vmem>>
      %dma_wait3A_131 = tpu.memref_squeeze %dma_wait3A_130 : memref<1x128xi32, #tpu.memory_space<vmem>> -> memref<128xi32, #tpu.memory_space<vmem>>
      %dma_wait3A_132 = tpu.memref_slice %arg3[%add3A_9] : memref<16384xi32, #tpu.memory_space<hbm>> -> memref<128xi32, #tpu.memory_space<hbm>>
      %dma_wait3A_133 = arith.constant 0 : i32
      %dma_wait3A_134 = tpu.memref_slice %arg5[%run_scoped3A_10, %dma_wait3A_133] : memref<4x128xi32, #tpu.memory_space<vmem>> -> memref<1x128xi32, #tpu.memory_space<vmem>>
      %dma_wait3A_135 = tpu.memref_squeeze %dma_wait3A_134 : memref<1x128xi32, #tpu.memory_space<vmem>> -> memref<128xi32, #tpu.memory_space<vmem>>
      %dma_wait3A_136 = tpu.memref_slice %arg3[%add3A_9] : memref<16384xi32, #tpu.memory_space<hbm>> -> memref<128xi32, #tpu.memory_space<hbm>>
      tpu.wait_dma2 semaphore(%run_scoped3A_120 : memref<!tpu.dma_semaphore, #tpu.memory_space<semaphore_mem>>) src(%dma_wait3A_136 : memref<128xi32, #tpu.memory_space<hbm>>) dst(%dma_wait3A_135 : memref<128xi32, #tpu.memory_space<vmem>>)
      tpu.yield
    }) : () -> ()
    %add3A_11 = arith.constant 384 : i32
    %add3A_12 = arith.addi %mul3A_2, %add3A_11 : i32
    %run_scoped3A_13 = arith.constant 3 : i32
    "tpu.region"() ({
      %run_scoped3A_120 = tpu.sem_alloc : memref<!tpu.dma_semaphore, #tpu.memory_space<semaphore_mem>>
      %dma_start3A_121 = arith.constant 0 : i32
      %dma_start3A_122 = tpu.memref_slice %arg5[%run_scoped3A_13, %dma_start3A_121] : memref<4x128xi32, #tpu.memory_space<vmem>> -> memref<1x128xi32, #tpu.memory_space<vmem>>
      %dma_start3A_123 = tpu.memref_squeeze %dma_start3A_122 : memref<1x128xi32, #tpu.memory_space<vmem>> -> memref<128xi32, #tpu.memory_space<vmem>>
      %dma_start3A_124 = tpu.memref_slice %arg3[%add3A_12] : memref<16384xi32, #tpu.memory_space<hbm>> -> memref<128xi32, #tpu.memory_space<hbm>>
      %dma_start3A_125 = arith.constant 0 : i32
      %dma_start3A_126 = tpu.memref_slice %arg5[%run_scoped3A_13, %dma_start3A_125] : memref<4x128xi32, #tpu.memory_space<vmem>> -> memref<1x128xi32, #tpu.memory_space<vmem>>
      %dma_start3A_127 = tpu.memref_squeeze %dma_start3A_126 : memref<1x128xi32, #tpu.memory_space<vmem>> -> memref<128xi32, #tpu.memory_space<vmem>>
      %dma_start3A_128 = tpu.memref_slice %arg3[%add3A_12] : memref<16384xi32, #tpu.memory_space<hbm>> -> memref<128xi32, #tpu.memory_space<hbm>>
      tpu.enqueue_dma source(%dma_start3A_128 : memref<128xi32, #tpu.memory_space<hbm>>) target(%dma_start3A_127 : memref<128xi32, #tpu.memory_space<vmem>>) target_semaphore(%run_scoped3A_120 : memref<!tpu.dma_semaphore, #tpu.memory_space<semaphore_mem>>)
      %dma_wait3A_129 = arith.constant 0 : i32
      %dma_wait3A_130 = tpu.memref_slice %arg5[%run_scoped3A_13, %dma_wait3A_129] : memref<4x128xi32, #tpu.memory_space<vmem>> -> memref<1x128xi32, #tpu.memory_space<vmem>>
      %dma_wait3A_131 = tpu.memref_squeeze %dma_wait3A_130 : memref<1x128xi32, #tpu.memory_space<vmem>> -> memref<128xi32, #tpu.memory_space<vmem>>
      %dma_wait3A_132 = tpu.memref_slice %arg3[%add3A_12] : memref<16384xi32, #tpu.memory_space<hbm>> -> memref<128xi32, #tpu.memory_space<hbm>>
      %dma_wait3A_133 = arith.constant 0 : i32
      %dma_wait3A_134 = tpu.memref_slice %arg5[%run_scoped3A_13, %dma_wait3A_133] : memref<4x128xi32, #tpu.memory_space<vmem>> -> memref<1x128xi32, #tpu.memory_space<vmem>>
      %dma_wait3A_135 = tpu.memref_squeeze %dma_wait3A_134 : memref<1x128xi32, #tpu.memory_space<vmem>> -> memref<128xi32, #tpu.memory_space<vmem>>
      %dma_wait3A_136 = tpu.memref_slice %arg3[%add3A_12] : memref<16384xi32, #tpu.memory_space<hbm>> -> memref<128xi32, #tpu.memory_space<hbm>>
      tpu.wait_dma2 semaphore(%run_scoped3A_120 : memref<!tpu.dma_semaphore, #tpu.memory_space<semaphore_mem>>) src(%dma_wait3A_136 : memref<128xi32, #tpu.memory_space<hbm>>) dst(%dma_wait3A_135 : memref<128xi32, #tpu.memory_space<vmem>>)
      tpu.yield
    }) : () -> ()
    %dma_start3A = arith.constant 0 : i32
    %dma_start3A_14 = arith.constant 0 : i32
    %dma_start3A_15 = arith.constant 0 : i32
    %dma_start3A_16 = arith.constant 0 : i32
    %dma_start3A_17 = tpu.memref_slice %arg6[%dma_start3A_14, %dma_start3A_15, %dma_start3A_16] : memref<4x128x128xf32, #tpu.memory_space<vmem>> -> memref<1x128x128xf32, #tpu.memory_space<vmem>>
    %dma_start3A_18 = tpu.memref_squeeze %dma_start3A_17 : memref<1x128x128xf32, #tpu.memory_space<vmem>> -> memref<128x128xf32, #tpu.memory_space<vmem>>
    %dma_start3A_19 = arith.constant 0 : i32
    %dma_start3A_20 = tpu.memref_slice %arg5[%dma_start3A, %dma_start3A_19] : memref<4x128xi32, #tpu.memory_space<vmem>> -> memref<1x128xi32, #tpu.memory_space<vmem>>
    %dma_start3A_21 = tpu.memref_squeeze %dma_start3A_20 : memref<1x128xi32, #tpu.memory_space<vmem>> -> memref<128xi32, #tpu.memory_space<vmem>>
    %dma_start3A_22 = arith.constant 0 : i32
    %dma_start3A_23 = arith.constant 0 : i32
    %dma_start3A_24 = tpu.memref_slice %arg2[%dma_start3A_22, %dma_start3A_23] : memref<524288x128xf32, #tpu.memory_space<hbm>> -> memref<524288x128xf32, #tpu.memory_space<hbm>>
    tpu.enqueue_indirect_dma source(%dma_start3A_24 : memref<524288x128xf32, #tpu.memory_space<hbm>>) target(%dma_start3A_18 : memref<128x128xf32, #tpu.memory_space<vmem>>) offsets(%dma_start3A_21 : memref<128xi32, #tpu.memory_space<vmem>>) semaphore(%arg7 : memref<!tpu.dma_semaphore, #tpu.memory_space<semaphore_mem>>)
    %dma_start3A_25 = arith.constant 1 : i32
    %dma_start3A_26 = arith.constant 1 : i32
    %dma_start3A_27 = arith.constant 0 : i32
    %dma_start3A_28 = arith.constant 0 : i32
    %dma_start3A_29 = tpu.memref_slice %arg6[%dma_start3A_26, %dma_start3A_27, %dma_start3A_28] : memref<4x128x128xf32, #tpu.memory_space<vmem>> -> memref<1x128x128xf32, #tpu.memory_space<vmem>>
    %dma_start3A_30 = tpu.memref_squeeze %dma_start3A_29 : memref<1x128x128xf32, #tpu.memory_space<vmem>> -> memref<128x128xf32, #tpu.memory_space<vmem>>
    %dma_start3A_31 = arith.constant 0 : i32
    %dma_start3A_32 = tpu.memref_slice %arg5[%dma_start3A_25, %dma_start3A_31] : memref<4x128xi32, #tpu.memory_space<vmem>> -> memref<1x128xi32, #tpu.memory_space<vmem>>
    %dma_start3A_33 = tpu.memref_squeeze %dma_start3A_32 : memref<1x128xi32, #tpu.memory_space<vmem>> -> memref<128xi32, #tpu.memory_space<vmem>>
    %dma_start3A_34 = arith.constant 0 : i32
    %dma_start3A_35 = arith.constant 0 : i32
    %dma_start3A_36 = tpu.memref_slice %arg2[%dma_start3A_34, %dma_start3A_35] : memref<524288x128xf32, #tpu.memory_space<hbm>> -> memref<524288x128xf32, #tpu.memory_space<hbm>>
    tpu.enqueue_indirect_dma source(%dma_start3A_36 : memref<524288x128xf32, #tpu.memory_space<hbm>>) target(%dma_start3A_30 : memref<128x128xf32, #tpu.memory_space<vmem>>) offsets(%dma_start3A_33 : memref<128xi32, #tpu.memory_space<vmem>>) semaphore(%arg7 : memref<!tpu.dma_semaphore, #tpu.memory_space<semaphore_mem>>)
    %dma_start3A_37 = arith.constant 2 : i32
    %dma_start3A_38 = arith.constant 2 : i32
    %dma_start3A_39 = arith.constant 0 : i32
    %dma_start3A_40 = arith.constant 0 : i32
    %dma_start3A_41 = tpu.memref_slice %arg6[%dma_start3A_38, %dma_start3A_39, %dma_start3A_40] : memref<4x128x128xf32, #tpu.memory_space<vmem>> -> memref<1x128x128xf32, #tpu.memory_space<vmem>>
    %dma_start3A_42 = tpu.memref_squeeze %dma_start3A_41 : memref<1x128x128xf32, #tpu.memory_space<vmem>> -> memref<128x128xf32, #tpu.memory_space<vmem>>
    %dma_start3A_43 = arith.constant 0 : i32
    %dma_start3A_44 = tpu.memref_slice %arg5[%dma_start3A_37, %dma_start3A_43] : memref<4x128xi32, #tpu.memory_space<vmem>> -> memref<1x128xi32, #tpu.memory_space<vmem>>
    %dma_start3A_45 = tpu.memref_squeeze %dma_start3A_44 : memref<1x128xi32, #tpu.memory_space<vmem>> -> memref<128xi32, #tpu.memory_space<vmem>>
    %dma_start3A_46 = arith.constant 0 : i32
    %dma_start3A_47 = arith.constant 0 : i32
    %dma_start3A_48 = tpu.memref_slice %arg2[%dma_start3A_46, %dma_start3A_47] : memref<524288x128xf32, #tpu.memory_space<hbm>> -> memref<524288x128xf32, #tpu.memory_space<hbm>>
    tpu.enqueue_indirect_dma source(%dma_start3A_48 : memref<524288x128xf32, #tpu.memory_space<hbm>>) target(%dma_start3A_42 : memref<128x128xf32, #tpu.memory_space<vmem>>) offsets(%dma_start3A_45 : memref<128xi32, #tpu.memory_space<vmem>>) semaphore(%arg7 : memref<!tpu.dma_semaphore, #tpu.memory_space<semaphore_mem>>)
    %dma_start3A_49 = arith.constant 3 : i32
    %dma_start3A_50 = arith.constant 3 : i32
    %dma_start3A_51 = arith.constant 0 : i32
    %dma_start3A_52 = arith.constant 0 : i32
    %dma_start3A_53 = tpu.memref_slice %arg6[%dma_start3A_50, %dma_start3A_51, %dma_start3A_52] : memref<4x128x128xf32, #tpu.memory_space<vmem>> -> memref<1x128x128xf32, #tpu.memory_space<vmem>>
    %dma_start3A_54 = tpu.memref_squeeze %dma_start3A_53 : memref<1x128x128xf32, #tpu.memory_space<vmem>> -> memref<128x128xf32, #tpu.memory_space<vmem>>
    %dma_start3A_55 = arith.constant 0 : i32
    %dma_start3A_56 = tpu.memref_slice %arg5[%dma_start3A_49, %dma_start3A_55] : memref<4x128xi32, #tpu.memory_space<vmem>> -> memref<1x128xi32, #tpu.memory_space<vmem>>
    %dma_start3A_57 = tpu.memref_squeeze %dma_start3A_56 : memref<1x128xi32, #tpu.memory_space<vmem>> -> memref<128xi32, #tpu.memory_space<vmem>>
    %dma_start3A_58 = arith.constant 0 : i32
    %dma_start3A_59 = arith.constant 0 : i32
    %dma_start3A_60 = tpu.memref_slice %arg2[%dma_start3A_58, %dma_start3A_59] : memref<524288x128xf32, #tpu.memory_space<hbm>> -> memref<524288x128xf32, #tpu.memory_space<hbm>>
    tpu.enqueue_indirect_dma source(%dma_start3A_60 : memref<524288x128xf32, #tpu.memory_space<hbm>>) target(%dma_start3A_54 : memref<128x128xf32, #tpu.memory_space<vmem>>) offsets(%dma_start3A_57 : memref<128xi32, #tpu.memory_space<vmem>>) semaphore(%arg7 : memref<!tpu.dma_semaphore, #tpu.memory_space<semaphore_mem>>)
    %dma_wait3A = arith.constant 0 : i32
    %dma_wait3A_61 = arith.constant 0 : i32
    %dma_wait3A_62 = arith.constant 0 : i32
    %dma_wait3A_63 = arith.constant 0 : i32
    %dma_wait3A_64 = tpu.memref_slice %arg6[%dma_wait3A_61, %dma_wait3A_62, %dma_wait3A_63] : memref<4x128x128xf32, #tpu.memory_space<vmem>> -> memref<1x128x128xf32, #tpu.memory_space<vmem>>
    %dma_wait3A_65 = tpu.memref_squeeze %dma_wait3A_64 : memref<1x128x128xf32, #tpu.memory_space<vmem>> -> memref<128x128xf32, #tpu.memory_space<vmem>>
    %dma_wait3A_66 = arith.constant 0 : i32
    %dma_wait3A_67 = tpu.memref_slice %arg5[%dma_wait3A, %dma_wait3A_66] : memref<4x128xi32, #tpu.memory_space<vmem>> -> memref<1x128xi32, #tpu.memory_space<vmem>>
    %dma_wait3A_68 = tpu.memref_squeeze %dma_wait3A_67 : memref<1x128xi32, #tpu.memory_space<vmem>> -> memref<128xi32, #tpu.memory_space<vmem>>
    %dma_wait3A_69 = arith.constant 0 : i32
    %dma_wait3A_70 = arith.constant 0 : i32
    %dma_wait3A_71 = tpu.memref_slice %arg2[%dma_wait3A_69, %dma_wait3A_70] : memref<524288x128xf32, #tpu.memory_space<hbm>> -> memref<524288x128xf32, #tpu.memory_space<hbm>>
    tpu.wait_indirect_dma semaphore(%arg7 : memref<!tpu.dma_semaphore, #tpu.memory_space<semaphore_mem>>) src(%dma_wait3A_71 : memref<524288x128xf32, #tpu.memory_space<hbm>>) dst(%dma_wait3A_65 : memref<128x128xf32, #tpu.memory_space<vmem>>)
    %add3A_72 = arith.constant 0 : i32
    %add3A_73 = arith.addi %mul3A_2, %add3A_72 : i32
    %run_scoped3A_74 = arith.constant 0 : i32
    "tpu.region"() ({
      %run_scoped3A_120 = tpu.sem_alloc : memref<!tpu.dma_semaphore, #tpu.memory_space<semaphore_mem>>
      %dma_start3A_121 = arith.constant 0 : i32
      %dma_start3A_122 = arith.constant 0 : i32
      %dma_start3A_123 = tpu.memref_slice %arg6[%run_scoped3A_74, %dma_start3A_121, %dma_start3A_122] : memref<4x128x128xf32, #tpu.memory_space<vmem>> -> memref<1x128x128xf32, #tpu.memory_space<vmem>>
      %dma_start3A_124 = tpu.memref_squeeze %dma_start3A_123 : memref<1x128x128xf32, #tpu.memory_space<vmem>> -> memref<128x128xf32, #tpu.memory_space<vmem>>
      %dma_start3A_125 = arith.constant 0 : i32
      %dma_start3A_126 = tpu.memref_slice %arg4[%add3A_73, %dma_start3A_125] : memref<16384x128xf32, #tpu.memory_space<hbm>> -> memref<128x128xf32, #tpu.memory_space<hbm>>
      %dma_start3A_127 = arith.constant 0 : i32
      %dma_start3A_128 = tpu.memref_slice %arg4[%add3A_73, %dma_start3A_127] : memref<16384x128xf32, #tpu.memory_space<hbm>> -> memref<128x128xf32, #tpu.memory_space<hbm>>
      %dma_start3A_129 = arith.constant 0 : i32
      %dma_start3A_130 = arith.constant 0 : i32
      %dma_start3A_131 = tpu.memref_slice %arg6[%run_scoped3A_74, %dma_start3A_129, %dma_start3A_130] : memref<4x128x128xf32, #tpu.memory_space<vmem>> -> memref<1x128x128xf32, #tpu.memory_space<vmem>>
      %dma_start3A_132 = tpu.memref_squeeze %dma_start3A_131 : memref<1x128x128xf32, #tpu.memory_space<vmem>> -> memref<128x128xf32, #tpu.memory_space<vmem>>
      tpu.enqueue_dma source(%dma_start3A_132 : memref<128x128xf32, #tpu.memory_space<vmem>>) target(%dma_start3A_128 : memref<128x128xf32, #tpu.memory_space<hbm>>) target_semaphore(%run_scoped3A_120 : memref<!tpu.dma_semaphore, #tpu.memory_space<semaphore_mem>>)
      %dma_wait3A_133 = arith.constant 0 : i32
      %dma_wait3A_134 = arith.constant 0 : i32
      %dma_wait3A_135 = tpu.memref_slice %arg6[%run_scoped3A_74, %dma_wait3A_133, %dma_wait3A_134] : memref<4x128x128xf32, #tpu.memory_space<vmem>> -> memref<1x128x128xf32, #tpu.memory_space<vmem>>
      %dma_wait3A_136 = tpu.memref_squeeze %dma_wait3A_135 : memref<1x128x128xf32, #tpu.memory_space<vmem>> -> memref<128x128xf32, #tpu.memory_space<vmem>>
      %dma_wait3A_137 = arith.constant 0 : i32
      %dma_wait3A_138 = tpu.memref_slice %arg4[%add3A_73, %dma_wait3A_137] : memref<16384x128xf32, #tpu.memory_space<hbm>> -> memref<128x128xf32, #tpu.memory_space<hbm>>
      %dma_wait3A_139 = arith.constant 0 : i32
      %dma_wait3A_140 = tpu.memref_slice %arg4[%add3A_73, %dma_wait3A_139] : memref<16384x128xf32, #tpu.memory_space<hbm>> -> memref<128x128xf32, #tpu.memory_space<hbm>>
      %dma_wait3A_141 = arith.constant 0 : i32
      %dma_wait3A_142 = arith.constant 0 : i32
      %dma_wait3A_143 = tpu.memref_slice %arg6[%run_scoped3A_74, %dma_wait3A_141, %dma_wait3A_142] : memref<4x128x128xf32, #tpu.memory_space<vmem>> -> memref<1x128x128xf32, #tpu.memory_space<vmem>>
      %dma_wait3A_144 = tpu.memref_squeeze %dma_wait3A_143 : memref<1x128x128xf32, #tpu.memory_space<vmem>> -> memref<128x128xf32, #tpu.memory_space<vmem>>
      tpu.wait_dma2 semaphore(%run_scoped3A_120 : memref<!tpu.dma_semaphore, #tpu.memory_space<semaphore_mem>>) src(%dma_wait3A_144 : memref<128x128xf32, #tpu.memory_space<vmem>>) dst(%dma_wait3A_140 : memref<128x128xf32, #tpu.memory_space<hbm>>)
      tpu.yield
    }) : () -> ()
    %dma_wait3A_75 = arith.constant 1 : i32
    %dma_wait3A_76 = arith.constant 1 : i32
    %dma_wait3A_77 = arith.constant 0 : i32
    %dma_wait3A_78 = arith.constant 0 : i32
    %dma_wait3A_79 = tpu.memref_slice %arg6[%dma_wait3A_76, %dma_wait3A_77, %dma_wait3A_78] : memref<4x128x128xf32, #tpu.memory_space<vmem>> -> memref<1x128x128xf32, #tpu.memory_space<vmem>>
    %dma_wait3A_80 = tpu.memref_squeeze %dma_wait3A_79 : memref<1x128x128xf32, #tpu.memory_space<vmem>> -> memref<128x128xf32, #tpu.memory_space<vmem>>
    %dma_wait3A_81 = arith.constant 0 : i32
    %dma_wait3A_82 = tpu.memref_slice %arg5[%dma_wait3A_75, %dma_wait3A_81] : memref<4x128xi32, #tpu.memory_space<vmem>> -> memref<1x128xi32, #tpu.memory_space<vmem>>
    %dma_wait3A_83 = tpu.memref_squeeze %dma_wait3A_82 : memref<1x128xi32, #tpu.memory_space<vmem>> -> memref<128xi32, #tpu.memory_space<vmem>>
    %dma_wait3A_84 = arith.constant 0 : i32
    %dma_wait3A_85 = arith.constant 0 : i32
    %dma_wait3A_86 = tpu.memref_slice %arg2[%dma_wait3A_84, %dma_wait3A_85] : memref<524288x128xf32, #tpu.memory_space<hbm>> -> memref<524288x128xf32, #tpu.memory_space<hbm>>
    tpu.wait_indirect_dma semaphore(%arg7 : memref<!tpu.dma_semaphore, #tpu.memory_space<semaphore_mem>>) src(%dma_wait3A_86 : memref<524288x128xf32, #tpu.memory_space<hbm>>) dst(%dma_wait3A_80 : memref<128x128xf32, #tpu.memory_space<vmem>>)
    %add3A_87 = arith.constant 128 : i32
    %add3A_88 = arith.addi %mul3A_2, %add3A_87 : i32
    %run_scoped3A_89 = arith.constant 1 : i32
    "tpu.region"() ({
      %run_scoped3A_120 = tpu.sem_alloc : memref<!tpu.dma_semaphore, #tpu.memory_space<semaphore_mem>>
      %dma_start3A_121 = arith.constant 0 : i32
      %dma_start3A_122 = arith.constant 0 : i32
      %dma_start3A_123 = tpu.memref_slice %arg6[%run_scoped3A_89, %dma_start3A_121, %dma_start3A_122] : memref<4x128x128xf32, #tpu.memory_space<vmem>> -> memref<1x128x128xf32, #tpu.memory_space<vmem>>
      %dma_start3A_124 = tpu.memref_squeeze %dma_start3A_123 : memref<1x128x128xf32, #tpu.memory_space<vmem>> -> memref<128x128xf32, #tpu.memory_space<vmem>>
      %dma_start3A_125 = arith.constant 0 : i32
      %dma_start3A_126 = tpu.memref_slice %arg4[%add3A_88, %dma_start3A_125] : memref<16384x128xf32, #tpu.memory_space<hbm>> -> memref<128x128xf32, #tpu.memory_space<hbm>>
      %dma_start3A_127 = arith.constant 0 : i32
      %dma_start3A_128 = tpu.memref_slice %arg4[%add3A_88, %dma_start3A_127] : memref<16384x128xf32, #tpu.memory_space<hbm>> -> memref<128x128xf32, #tpu.memory_space<hbm>>
      %dma_start3A_129 = arith.constant 0 : i32
      %dma_start3A_130 = arith.constant 0 : i32
      %dma_start3A_131 = tpu.memref_slice %arg6[%run_scoped3A_89, %dma_start3A_129, %dma_start3A_130] : memref<4x128x128xf32, #tpu.memory_space<vmem>> -> memref<1x128x128xf32, #tpu.memory_space<vmem>>
      %dma_start3A_132 = tpu.memref_squeeze %dma_start3A_131 : memref<1x128x128xf32, #tpu.memory_space<vmem>> -> memref<128x128xf32, #tpu.memory_space<vmem>>
      tpu.enqueue_dma source(%dma_start3A_132 : memref<128x128xf32, #tpu.memory_space<vmem>>) target(%dma_start3A_128 : memref<128x128xf32, #tpu.memory_space<hbm>>) target_semaphore(%run_scoped3A_120 : memref<!tpu.dma_semaphore, #tpu.memory_space<semaphore_mem>>)
      %dma_wait3A_133 = arith.constant 0 : i32
      %dma_wait3A_134 = arith.constant 0 : i32
      %dma_wait3A_135 = tpu.memref_slice %arg6[%run_scoped3A_89, %dma_wait3A_133, %dma_wait3A_134] : memref<4x128x128xf32, #tpu.memory_space<vmem>> -> memref<1x128x128xf32, #tpu.memory_space<vmem>>
      %dma_wait3A_136 = tpu.memref_squeeze %dma_wait3A_135 : memref<1x128x128xf32, #tpu.memory_space<vmem>> -> memref<128x128xf32, #tpu.memory_space<vmem>>
      %dma_wait3A_137 = arith.constant 0 : i32
      %dma_wait3A_138 = tpu.memref_slice %arg4[%add3A_88, %dma_wait3A_137] : memref<16384x128xf32, #tpu.memory_space<hbm>> -> memref<128x128xf32, #tpu.memory_space<hbm>>
      %dma_wait3A_139 = arith.constant 0 : i32
      %dma_wait3A_140 = tpu.memref_slice %arg4[%add3A_88, %dma_wait3A_139] : memref<16384x128xf32, #tpu.memory_space<hbm>> -> memref<128x128xf32, #tpu.memory_space<hbm>>
      %dma_wait3A_141 = arith.constant 0 : i32
      %dma_wait3A_142 = arith.constant 0 : i32
      %dma_wait3A_143 = tpu.memref_slice %arg6[%run_scoped3A_89, %dma_wait3A_141, %dma_wait3A_142] : memref<4x128x128xf32, #tpu.memory_space<vmem>> -> memref<1x128x128xf32, #tpu.memory_space<vmem>>
      %dma_wait3A_144 = tpu.memref_squeeze %dma_wait3A_143 : memref<1x128x128xf32, #tpu.memory_space<vmem>> -> memref<128x128xf32, #tpu.memory_space<vmem>>
      tpu.wait_dma2 semaphore(%run_scoped3A_120 : memref<!tpu.dma_semaphore, #tpu.memory_space<semaphore_mem>>) src(%dma_wait3A_144 : memref<128x128xf32, #tpu.memory_space<vmem>>) dst(%dma_wait3A_140 : memref<128x128xf32, #tpu.memory_space<hbm>>)
      tpu.yield
    }) : () -> ()
    %dma_wait3A_90 = arith.constant 2 : i32
    %dma_wait3A_91 = arith.constant 2 : i32
    %dma_wait3A_92 = arith.constant 0 : i32
    %dma_wait3A_93 = arith.constant 0 : i32
    %dma_wait3A_94 = tpu.memref_slice %arg6[%dma_wait3A_91, %dma_wait3A_92, %dma_wait3A_93] : memref<4x128x128xf32, #tpu.memory_space<vmem>> -> memref<1x128x128xf32, #tpu.memory_space<vmem>>
    %dma_wait3A_95 = tpu.memref_squeeze %dma_wait3A_94 : memref<1x128x128xf32, #tpu.memory_space<vmem>> -> memref<128x128xf32, #tpu.memory_space<vmem>>
    %dma_wait3A_96 = arith.constant 0 : i32
    %dma_wait3A_97 = tpu.memref_slice %arg5[%dma_wait3A_90, %dma_wait3A_96] : memref<4x128xi32, #tpu.memory_space<vmem>> -> memref<1x128xi32, #tpu.memory_space<vmem>>
    %dma_wait3A_98 = tpu.memref_squeeze %dma_wait3A_97 : memref<1x128xi32, #tpu.memory_space<vmem>> -> memref<128xi32, #tpu.memory_space<vmem>>
    %dma_wait3A_99 = arith.constant 0 : i32
    %dma_wait3A_100 = arith.constant 0 : i32
    %dma_wait3A_101 = tpu.memref_slice %arg2[%dma_wait3A_99, %dma_wait3A_100] : memref<524288x128xf32, #tpu.memory_space<hbm>> -> memref<524288x128xf32, #tpu.memory_space<hbm>>
    tpu.wait_indirect_dma semaphore(%arg7 : memref<!tpu.dma_semaphore, #tpu.memory_space<semaphore_mem>>) src(%dma_wait3A_101 : memref<524288x128xf32, #tpu.memory_space<hbm>>) dst(%dma_wait3A_95 : memref<128x128xf32, #tpu.memory_space<vmem>>)
    %add3A_102 = arith.constant 256 : i32
    %add3A_103 = arith.addi %mul3A_2, %add3A_102 : i32
    %run_scoped3A_104 = arith.constant 2 : i32
    "tpu.region"() ({
      %run_scoped3A_120 = tpu.sem_alloc : memref<!tpu.dma_semaphore, #tpu.memory_space<semaphore_mem>>
      %dma_start3A_121 = arith.constant 0 : i32
      %dma_start3A_122 = arith.constant 0 : i32
      %dma_start3A_123 = tpu.memref_slice %arg6[%run_scoped3A_104, %dma_start3A_121, %dma_start3A_122] : memref<4x128x128xf32, #tpu.memory_space<vmem>> -> memref<1x128x128xf32, #tpu.memory_space<vmem>>
      %dma_start3A_124 = tpu.memref_squeeze %dma_start3A_123 : memref<1x128x128xf32, #tpu.memory_space<vmem>> -> memref<128x128xf32, #tpu.memory_space<vmem>>
      %dma_start3A_125 = arith.constant 0 : i32
      %dma_start3A_126 = tpu.memref_slice %arg4[%add3A_103, %dma_start3A_125] : memref<16384x128xf32, #tpu.memory_space<hbm>> -> memref<128x128xf32, #tpu.memory_space<hbm>>
      %dma_start3A_127 = arith.constant 0 : i32
      %dma_start3A_128 = tpu.memref_slice %arg4[%add3A_103, %dma_start3A_127] : memref<16384x128xf32, #tpu.memory_space<hbm>> -> memref<128x128xf32, #tpu.memory_space<hbm>>
      %dma_start3A_129 = arith.constant 0 : i32
      %dma_start3A_130 = arith.constant 0 : i32
      %dma_start3A_131 = tpu.memref_slice %arg6[%run_scoped3A_104, %dma_start3A_129, %dma_start3A_130] : memref<4x128x128xf32, #tpu.memory_space<vmem>> -> memref<1x128x128xf32, #tpu.memory_space<vmem>>
      %dma_start3A_132 = tpu.memref_squeeze %dma_start3A_131 : memref<1x128x128xf32, #tpu.memory_space<vmem>> -> memref<128x128xf32, #tpu.memory_space<vmem>>
      tpu.enqueue_dma source(%dma_start3A_132 : memref<128x128xf32, #tpu.memory_space<vmem>>) target(%dma_start3A_128 : memref<128x128xf32, #tpu.memory_space<hbm>>) target_semaphore(%run_scoped3A_120 : memref<!tpu.dma_semaphore, #tpu.memory_space<semaphore_mem>>)
      %dma_wait3A_133 = arith.constant 0 : i32
      %dma_wait3A_134 = arith.constant 0 : i32
      %dma_wait3A_135 = tpu.memref_slice %arg6[%run_scoped3A_104, %dma_wait3A_133, %dma_wait3A_134] : memref<4x128x128xf32, #tpu.memory_space<vmem>> -> memref<1x128x128xf32, #tpu.memory_space<vmem>>
      %dma_wait3A_136 = tpu.memref_squeeze %dma_wait3A_135 : memref<1x128x128xf32, #tpu.memory_space<vmem>> -> memref<128x128xf32, #tpu.memory_space<vmem>>
      %dma_wait3A_137 = arith.constant 0 : i32
      %dma_wait3A_138 = tpu.memref_slice %arg4[%add3A_103, %dma_wait3A_137] : memref<16384x128xf32, #tpu.memory_space<hbm>> -> memref<128x128xf32, #tpu.memory_space<hbm>>
      %dma_wait3A_139 = arith.constant 0 : i32
      %dma_wait3A_140 = tpu.memref_slice %arg4[%add3A_103, %dma_wait3A_139] : memref<16384x128xf32, #tpu.memory_space<hbm>> -> memref<128x128xf32, #tpu.memory_space<hbm>>
      %dma_wait3A_141 = arith.constant 0 : i32
      %dma_wait3A_142 = arith.constant 0 : i32
      %dma_wait3A_143 = tpu.memref_slice %arg6[%run_scoped3A_104, %dma_wait3A_141, %dma_wait3A_142] : memref<4x128x128xf32, #tpu.memory_space<vmem>> -> memref<1x128x128xf32, #tpu.memory_space<vmem>>
      %dma_wait3A_144 = tpu.memref_squeeze %dma_wait3A_143 : memref<1x128x128xf32, #tpu.memory_space<vmem>> -> memref<128x128xf32, #tpu.memory_space<vmem>>
      tpu.wait_dma2 semaphore(%run_scoped3A_120 : memref<!tpu.dma_semaphore, #tpu.memory_space<semaphore_mem>>) src(%dma_wait3A_144 : memref<128x128xf32, #tpu.memory_space<vmem>>) dst(%dma_wait3A_140 : memref<128x128xf32, #tpu.memory_space<hbm>>)
      tpu.yield
    }) : () -> ()
    %dma_wait3A_105 = arith.constant 3 : i32
    %dma_wait3A_106 = arith.constant 3 : i32
    %dma_wait3A_107 = arith.constant 0 : i32
    %dma_wait3A_108 = arith.constant 0 : i32
    %dma_wait3A_109 = tpu.memref_slice %arg6[%dma_wait3A_106, %dma_wait3A_107, %dma_wait3A_108] : memref<4x128x128xf32, #tpu.memory_space<vmem>> -> memref<1x128x128xf32, #tpu.memory_space<vmem>>
    %dma_wait3A_110 = tpu.memref_squeeze %dma_wait3A_109 : memref<1x128x128xf32, #tpu.memory_space<vmem>> -> memref<128x128xf32, #tpu.memory_space<vmem>>
    %dma_wait3A_111 = arith.constant 0 : i32
    %dma_wait3A_112 = tpu.memref_slice %arg5[%dma_wait3A_105, %dma_wait3A_111] : memref<4x128xi32, #tpu.memory_space<vmem>> -> memref<1x128xi32, #tpu.memory_space<vmem>>
    %dma_wait3A_113 = tpu.memref_squeeze %dma_wait3A_112 : memref<1x128xi32, #tpu.memory_space<vmem>> -> memref<128xi32, #tpu.memory_space<vmem>>
    %dma_wait3A_114 = arith.constant 0 : i32
    %dma_wait3A_115 = arith.constant 0 : i32
    %dma_wait3A_116 = tpu.memref_slice %arg2[%dma_wait3A_114, %dma_wait3A_115] : memref<524288x128xf32, #tpu.memory_space<hbm>> -> memref<524288x128xf32, #tpu.memory_space<hbm>>
    tpu.wait_indirect_dma semaphore(%arg7 : memref<!tpu.dma_semaphore, #tpu.memory_space<semaphore_mem>>) src(%dma_wait3A_116 : memref<524288x128xf32, #tpu.memory_space<hbm>>) dst(%dma_wait3A_110 : memref<128x128xf32, #tpu.memory_space<vmem>>)
    %add3A_117 = arith.constant 384 : i32
    %add3A_118 = arith.addi %mul3A_2, %add3A_117 : i32
    %run_scoped3A_119 = arith.constant 3 : i32
    "tpu.region"() ({
      %run_scoped3A_120 = tpu.sem_alloc : memref<!tpu.dma_semaphore, #tpu.memory_space<semaphore_mem>>
      %dma_start3A_121 = arith.constant 0 : i32
      %dma_start3A_122 = arith.constant 0 : i32
      %dma_start3A_123 = tpu.memref_slice %arg6[%run_scoped3A_119, %dma_start3A_121, %dma_start3A_122] : memref<4x128x128xf32, #tpu.memory_space<vmem>> -> memref<1x128x128xf32, #tpu.memory_space<vmem>>
      %dma_start3A_124 = tpu.memref_squeeze %dma_start3A_123 : memref<1x128x128xf32, #tpu.memory_space<vmem>> -> memref<128x128xf32, #tpu.memory_space<vmem>>
      %dma_start3A_125 = arith.constant 0 : i32
      %dma_start3A_126 = tpu.memref_slice %arg4[%add3A_118, %dma_start3A_125] : memref<16384x128xf32, #tpu.memory_space<hbm>> -> memref<128x128xf32, #tpu.memory_space<hbm>>
      %dma_start3A_127 = arith.constant 0 : i32
      %dma_start3A_128 = tpu.memref_slice %arg4[%add3A_118, %dma_start3A_127] : memref<16384x128xf32, #tpu.memory_space<hbm>> -> memref<128x128xf32, #tpu.memory_space<hbm>>
      %dma_start3A_129 = arith.constant 0 : i32
      %dma_start3A_130 = arith.constant 0 : i32
      %dma_start3A_131 = tpu.memref_slice %arg6[%run_scoped3A_119, %dma_start3A_129, %dma_start3A_130] : memref<4x128x128xf32, #tpu.memory_space<vmem>> -> memref<1x128x128xf32, #tpu.memory_space<vmem>>
      %dma_start3A_132 = tpu.memref_squeeze %dma_start3A_131 : memref<1x128x128xf32, #tpu.memory_space<vmem>> -> memref<128x128xf32, #tpu.memory_space<vmem>>
      tpu.enqueue_dma source(%dma_start3A_132 : memref<128x128xf32, #tpu.memory_space<vmem>>) target(%dma_start3A_128 : memref<128x128xf32, #tpu.memory_space<hbm>>) target_semaphore(%run_scoped3A_120 : memref<!tpu.dma_semaphore, #tpu.memory_space<semaphore_mem>>)
      %dma_wait3A_133 = arith.constant 0 : i32
      %dma_wait3A_134 = arith.constant 0 : i32
      %dma_wait3A_135 = tpu.memref_slice %arg6[%run_scoped3A_119, %dma_wait3A_133, %dma_wait3A_134] : memref<4x128x128xf32, #tpu.memory_space<vmem>> -> memref<1x128x128xf32, #tpu.memory_space<vmem>>
      %dma_wait3A_136 = tpu.memref_squeeze %dma_wait3A_135 : memref<1x128x128xf32, #tpu.memory_space<vmem>> -> memref<128x128xf32, #tpu.memory_space<vmem>>
      %dma_wait3A_137 = arith.constant 0 : i32
      %dma_wait3A_138 = tpu.memref_slice %arg4[%add3A_118, %dma_wait3A_137] : memref<16384x128xf32, #tpu.memory_space<hbm>> -> memref<128x128xf32, #tpu.memory_space<hbm>>
      %dma_wait3A_139 = arith.constant 0 : i32
      %dma_wait3A_140 = tpu.memref_slice %arg4[%add3A_118, %dma_wait3A_139] : memref<16384x128xf32, #tpu.memory_space<hbm>> -> memref<128x128xf32, #tpu.memory_space<hbm>>
      %dma_wait3A_141 = arith.constant 0 : i32
      %dma_wait3A_142 = arith.constant 0 : i32
      %dma_wait3A_143 = tpu.memref_slice %arg6[%run_scoped3A_119, %dma_wait3A_141, %dma_wait3A_142] : memref<4x128x128xf32, #tpu.memory_space<vmem>> -> memref<1x128x128xf32, #tpu.memory_space<vmem>>
      %dma_wait3A_144 = tpu.memref_squeeze %dma_wait3A_143 : memref<1x128x128xf32, #tpu.memory_space<vmem>> -> memref<128x128xf32, #tpu.memory_space<vmem>>
      tpu.wait_dma2 semaphore(%run_scoped3A_120 : memref<!tpu.dma_semaphore, #tpu.memory_space<semaphore_mem>>) src(%dma_wait3A_144 : memref<128x128xf32, #tpu.memory_space<vmem>>) dst(%dma_wait3A_140 : memref<128x128xf32, #tpu.memory_space<hbm>>)
      tpu.yield
    }) : () -> ()
    return
  }
}

module attributes {stable_mosaic.version = 14 : i64} {
  func.func @_a_body(%arg0: i32, %arg1: memref<512x128xf32, #tpu.memory_space<vmem>>, %arg2: memref<4096x128xf32, #tpu.memory_space<vmem>>, %arg3: memref<64x1x256x128xf32, #tpu.memory_space<vmem>>, %arg4: memref<128x512xf32, #tpu.memory_space<vmem>>, %arg5: memref<128x512xi32, #tpu.memory_space<vmem>>, %arg6: memref<32x512xf32, #tpu.memory_space<vmem>>, %arg7: memref<32x512xi32, #tpu.memory_space<vmem>>) attributes {dimension_semantics = [#tpu.dimension_semantics<arbitrary>], iteration_bounds = array<i64: 32>, scalar_prefetch = 0 : i64, scratch_operands = 0 : i64, tpu.core_type = #tpu.core_type<tc>, window_params = [{pipeline_mode = #tpu.pipeline_mode<synchronous>, transform_indices = @transform_0, window_bounds = array<i64: 512, 128>}, {transform_indices = @transform_1, window_bounds = array<i64: 4096, 128>}, {transform_indices = @transform_2, window_bounds = array<i64: 64, 1, 256, 128>}, {transform_indices = @transform_3, window_bounds = array<i64: 128, 512>}, {transform_indices = @transform_4, window_bounds = array<i64: 128, 512>}, {transform_indices = @transform_5, window_bounds = array<i64: 32, 512>}, {transform_indices = @transform_6, window_bounds = array<i64: 32, 512>}]} {
    %get3A = arith.constant 0 : index
    %get3A_0 = arith.constant 0 : index
    %get3A_1 = vector.load %arg1[%get3A, %get3A_0] : memref<512x128xf32, #tpu.memory_space<vmem>>, vector<512x128xf32>
    %get3A_2 = arith.constant 0 : index
    %get3A_3 = arith.constant 0 : index
    %get3A_4 = vector.load %arg2[%get3A_2, %get3A_3] : memref<4096x128xf32, #tpu.memory_space<vmem>>, vector<4096x128xf32>
    %dot_general3A = arith.constant dense<0.000000e+00> : vector<512x4096xf32>
    %dot_general3A_5 = tpu.matmul %get3A_1, %get3A_4, %dot_general3A {dimension_numbers = #tpu.dot_dimension_numbers<[1], [1], [0], [0], [0, 0, 1, 0], [], []>, transpose_lhs_hint = false} : vector<512x128xf32>, vector<4096x128xf32>, vector<512x4096xf32> -> vector<512x4096xf32>
    %slice3A = vector.extract_strided_slice %dot_general3A_5 {offsets = [0, 0], sizes = [512, 128], strides = [1, 1]} : vector<512x4096xf32> to vector<512x128xf32>
    %reshape3A = vector.shape_cast %slice3A : vector<512x128xf32> to vector<64x8x128xf32>
    %swap3A = arith.constant 0 : index
    %swap3A_6 = arith.constant 0 : index
    %swap3A_7 = arith.constant 0 : index
    %swap3A_8 = arith.constant 0 : index
    %swap3A_9 = vector.load %arg3[%swap3A, %swap3A_6, %swap3A_7, %swap3A_8] : memref<64x1x256x128xf32, #tpu.memory_space<vmem>>, vector<64x1x8x128xf32>
    %swap3A_10 = vector.shape_cast %swap3A_9 : vector<64x1x8x128xf32> to vector<64x8x128xf32>
    %swap3A_11 = vector.shape_cast %reshape3A : vector<64x8x128xf32> to vector<64x1x8x128xf32>
    tpu.vector_store %arg3[%swap3A, %swap3A_6, %swap3A_7, %swap3A_8], %swap3A_11 {strides = array<i32>} : memref<64x1x256x128xf32, #tpu.memory_space<vmem>>, vector<64x1x8x128xf32>,
    %slice3A_12 = vector.extract_strided_slice %dot_general3A_5 {offsets = [0, 128], sizes = [512, 128], strides = [1, 1]} : vector<512x4096xf32> to vector<512x128xf32>
    %reshape3A_13 = vector.shape_cast %slice3A_12 : vector<512x128xf32> to vector<64x8x128xf32>
    %swap3A_14 = arith.constant 0 : index
    %swap3A_15 = arith.constant 0 : index
    %swap3A_16 = arith.constant 8 : index
    %swap3A_17 = arith.constant 0 : index
    %swap3A_18 = vector.load %arg3[%swap3A_14, %swap3A_15, %swap3A_16, %swap3A_17] : memref<64x1x256x128xf32, #tpu.memory_space<vmem>>, vector<64x1x8x128xf32>
    %swap3A_19 = vector.shape_cast %swap3A_18 : vector<64x1x8x128xf32> to vector<64x8x128xf32>
    %swap3A_20 = vector.shape_cast %reshape3A_13 : vector<64x8x128xf32> to vector<64x1x8x128xf32>
    tpu.vector_store %arg3[%swap3A_14, %swap3A_15, %swap3A_16, %swap3A_17], %swap3A_20 {strides = array<i32>} : memref<64x1x256x128xf32, #tpu.memory_space<vmem>>, vector<64x1x8x128xf32>,
    %slice3A_21 = vector.extract_strided_slice %dot_general3A_5 {offsets = [0, 256], sizes = [512, 128], strides = [1, 1]} : vector<512x4096xf32> to vector<512x128xf32>
    %reshape3A_22 = vector.shape_cast %slice3A_21 : vector<512x128xf32> to vector<64x8x128xf32>
    %swap3A_23 = arith.constant 0 : index
    %swap3A_24 = arith.constant 0 : index
    %swap3A_25 = arith.constant 16 : index
    %swap3A_26 = arith.constant 0 : index
    %swap3A_27 = vector.load %arg3[%swap3A_23, %swap3A_24, %swap3A_25, %swap3A_26] : memref<64x1x256x128xf32, #tpu.memory_space<vmem>>, vector<64x1x8x128xf32>
    %swap3A_28 = vector.shape_cast %swap3A_27 : vector<64x1x8x128xf32> to vector<64x8x128xf32>
    %swap3A_29 = vector.shape_cast %reshape3A_22 : vector<64x8x128xf32> to vector<64x1x8x128xf32>
    tpu.vector_store %arg3[%swap3A_23, %swap3A_24, %swap3A_25, %swap3A_26], %swap3A_29 {strides = array<i32>} : memref<64x1x256x128xf32, #tpu.memory_space<vmem>>, vector<64x1x8x128xf32>,
    %slice3A_30 = vector.extract_strided_slice %dot_general3A_5 {offsets = [0, 384], sizes = [512, 128], strides = [1, 1]} : vector<512x4096xf32> to vector<512x128xf32>
    %reshape3A_31 = vector.shape_cast %slice3A_30 : vector<512x128xf32> to vector<64x8x128xf32>
    %swap3A_32 = arith.constant 0 : index
    %swap3A_33 = arith.constant 0 : index
    %swap3A_34 = arith.constant 24 : index
    %swap3A_35 = arith.constant 0 : index
    %swap3A_36 = vector.load %arg3[%swap3A_32, %swap3A_33, %swap3A_34, %swap3A_35] : memref<64x1x256x128xf32, #tpu.memory_space<vmem>>, vector<64x1x8x128xf32>
    %swap3A_37 = vector.shape_cast %swap3A_36 : vector<64x1x8x128xf32> to vector<64x8x128xf32>
    %swap3A_38 = vector.shape_cast %reshape3A_31 : vector<64x8x128xf32> to vector<64x1x8x128xf32>
    tpu.vector_store %arg3[%swap3A_32, %swap3A_33, %swap3A_34, %swap3A_35], %swap3A_38 {strides = array<i32>} : memref<64x1x256x128xf32, #tpu.memory_space<vmem>>, vector<64x1x8x128xf32>,
    %slice3A_39 = vector.extract_strided_slice %dot_general3A_5 {offsets = [0, 512], sizes = [512, 128], strides = [1, 1]} : vector<512x4096xf32> to vector<512x128xf32>
    %reshape3A_40 = vector.shape_cast %slice3A_39 : vector<512x128xf32> to vector<64x8x128xf32>
    %swap3A_41 = arith.constant 0 : index
    %swap3A_42 = arith.constant 0 : index
    %swap3A_43 = arith.constant 32 : index
    %swap3A_44 = arith.constant 0 : index
    %swap3A_45 = vector.load %arg3[%swap3A_41, %swap3A_42, %swap3A_43, %swap3A_44] : memref<64x1x256x128xf32, #tpu.memory_space<vmem>>, vector<64x1x8x128xf32>
    %swap3A_46 = vector.shape_cast %swap3A_45 : vector<64x1x8x128xf32> to vector<64x8x128xf32>
    %swap3A_47 = vector.shape_cast %reshape3A_40 : vector<64x8x128xf32> to vector<64x1x8x128xf32>
    tpu.vector_store %arg3[%swap3A_41, %swap3A_42, %swap3A_43, %swap3A_44], %swap3A_47 {strides = array<i32>} : memref<64x1x256x128xf32, #tpu.memory_space<vmem>>, vector<64x1x8x128xf32>,
    %slice3A_48 = vector.extract_strided_slice %dot_general3A_5 {offsets = [0, 640], sizes = [512, 128], strides = [1, 1]} : vector<512x4096xf32> to vector<512x128xf32>
    %reshape3A_49 = vector.shape_cast %slice3A_48 : vector<512x128xf32> to vector<64x8x128xf32>
    %swap3A_50 = arith.constant 0 : index
    %swap3A_51 = arith.constant 0 : index
    %swap3A_52 = arith.constant 40 : index
    %swap3A_53 = arith.constant 0 : index
    %swap3A_54 = vector.load %arg3[%swap3A_50, %swap3A_51, %swap3A_52, %swap3A_53] : memref<64x1x256x128xf32, #tpu.memory_space<vmem>>, vector<64x1x8x128xf32>
    %swap3A_55 = vector.shape_cast %swap3A_54 : vector<64x1x8x128xf32> to vector<64x8x128xf32>
    %swap3A_56 = vector.shape_cast %reshape3A_49 : vector<64x8x128xf32> to vector<64x1x8x128xf32>
    tpu.vector_store %arg3[%swap3A_50, %swap3A_51, %swap3A_52, %swap3A_53], %swap3A_56 {strides = array<i32>} : memref<64x1x256x128xf32, #tpu.memory_space<vmem>>, vector<64x1x8x128xf32>,
    %slice3A_57 = vector.extract_strided_slice %dot_general3A_5 {offsets = [0, 768], sizes = [512, 128], strides = [1, 1]} : vector<512x4096xf32> to vector<512x128xf32>
    %reshape3A_58 = vector.shape_cast %slice3A_57 : vector<512x128xf32> to vector<64x8x128xf32>
    %swap3A_59 = arith.constant 0 : index
    %swap3A_60 = arith.constant 0 : index
    %swap3A_61 = arith.constant 48 : index
    %swap3A_62 = arith.constant 0 : index
    %swap3A_63 = vector.load %arg3[%swap3A_59, %swap3A_60, %swap3A_61, %swap3A_62] : memref<64x1x256x128xf32, #tpu.memory_space<vmem>>, vector<64x1x8x128xf32>
    %swap3A_64 = vector.shape_cast %swap3A_63 : vector<64x1x8x128xf32> to vector<64x8x128xf32>
    %swap3A_65 = vector.shape_cast %reshape3A_58 : vector<64x8x128xf32> to vector<64x1x8x128xf32>
    tpu.vector_store %arg3[%swap3A_59, %swap3A_60, %swap3A_61, %swap3A_62], %swap3A_65 {strides = array<i32>} : memref<64x1x256x128xf32, #tpu.memory_space<vmem>>, vector<64x1x8x128xf32>,
    %slice3A_66 = vector.extract_strided_slice %dot_general3A_5 {offsets = [0, 896], sizes = [512, 128], strides = [1, 1]} : vector<512x4096xf32> to vector<512x128xf32>
    %reshape3A_67 = vector.shape_cast %slice3A_66 : vector<512x128xf32> to vector<64x8x128xf32>
    %swap3A_68 = arith.constant 0 : index
    %swap3A_69 = arith.constant 0 : index
    %swap3A_70 = arith.constant 56 : index
    %swap3A_71 = arith.constant 0 : index
    %swap3A_72 = vector.load %arg3[%swap3A_68, %swap3A_69, %swap3A_70, %swap3A_71] : memref<64x1x256x128xf32, #tpu.memory_space<vmem>>, vector<64x1x8x128xf32>
    %swap3A_73 = vector.shape_cast %swap3A_72 : vector<64x1x8x128xf32> to vector<64x8x128xf32>
    %swap3A_74 = vector.shape_cast %reshape3A_67 : vector<64x8x128xf32> to vector<64x1x8x128xf32>
    tpu.vector_store %arg3[%swap3A_68, %swap3A_69, %swap3A_70, %swap3A_71], %swap3A_74 {strides = array<i32>} : memref<64x1x256x128xf32, #tpu.memory_space<vmem>>, vector<64x1x8x128xf32>,
    %slice3A_75 = vector.extract_strided_slice %dot_general3A_5 {offsets = [0, 1024], sizes = [512, 128], strides = [1, 1]} : vector<512x4096xf32> to vector<512x128xf32>
    %reshape3A_76 = vector.shape_cast %slice3A_75 : vector<512x128xf32> to vector<64x8x128xf32>
    %swap3A_77 = arith.constant 0 : index
    %swap3A_78 = arith.constant 0 : index
    %swap3A_79 = arith.constant 64 : index
    %swap3A_80 = arith.constant 0 : index
    %swap3A_81 = vector.load %arg3[%swap3A_77, %swap3A_78, %swap3A_79, %swap3A_80] : memref<64x1x256x128xf32, #tpu.memory_space<vmem>>, vector<64x1x8x128xf32>
    %swap3A_82 = vector.shape_cast %swap3A_81 : vector<64x1x8x128xf32> to vector<64x8x128xf32>
    %swap3A_83 = vector.shape_cast %reshape3A_76 : vector<64x8x128xf32> to vector<64x1x8x128xf32>
    tpu.vector_store %arg3[%swap3A_77, %swap3A_78, %swap3A_79, %swap3A_80], %swap3A_83 {strides = array<i32>} : memref<64x1x256x128xf32, #tpu.memory_space<vmem>>, vector<64x1x8x128xf32>,
    %slice3A_84 = vector.extract_strided_slice %dot_general3A_5 {offsets = [0, 1152], sizes = [512, 128], strides = [1, 1]} : vector<512x4096xf32> to vector<512x128xf32>
    %reshape3A_85 = vector.shape_cast %slice3A_84 : vector<512x128xf32> to vector<64x8x128xf32>
    %swap3A_86 = arith.constant 0 : index
    %swap3A_87 = arith.constant 0 : index
    %swap3A_88 = arith.constant 72 : index
    %swap3A_89 = arith.constant 0 : index
    %swap3A_90 = vector.load %arg3[%swap3A_86, %swap3A_87, %swap3A_88, %swap3A_89] : memref<64x1x256x128xf32, #tpu.memory_space<vmem>>, vector<64x1x8x128xf32>
    %swap3A_91 = vector.shape_cast %swap3A_90 : vector<64x1x8x128xf32> to vector<64x8x128xf32>
    %swap3A_92 = vector.shape_cast %reshape3A_85 : vector<64x8x128xf32> to vector<64x1x8x128xf32>
    tpu.vector_store %arg3[%swap3A_86, %swap3A_87, %swap3A_88, %swap3A_89], %swap3A_92 {strides = array<i32>} : memref<64x1x256x128xf32, #tpu.memory_space<vmem>>, vector<64x1x8x128xf32>,
    %slice3A_93 = vector.extract_strided_slice %dot_general3A_5 {offsets = [0, 1280], sizes = [512, 128], strides = [1, 1]} : vector<512x4096xf32> to vector<512x128xf32>
    %reshape3A_94 = vector.shape_cast %slice3A_93 : vector<512x128xf32> to vector<64x8x128xf32>
    %swap3A_95 = arith.constant 0 : index
    %swap3A_96 = arith.constant 0 : index
    %swap3A_97 = arith.constant 80 : index
    %swap3A_98 = arith.constant 0 : index
    %swap3A_99 = vector.load %arg3[%swap3A_95, %swap3A_96, %swap3A_97, %swap3A_98] : memref<64x1x256x128xf32, #tpu.memory_space<vmem>>, vector<64x1x8x128xf32>
    %swap3A_100 = vector.shape_cast %swap3A_99 : vector<64x1x8x128xf32> to vector<64x8x128xf32>
    %swap3A_101 = vector.shape_cast %reshape3A_94 : vector<64x8x128xf32> to vector<64x1x8x128xf32>
    tpu.vector_store %arg3[%swap3A_95, %swap3A_96, %swap3A_97, %swap3A_98], %swap3A_101 {strides = array<i32>} : memref<64x1x256x128xf32, #tpu.memory_space<vmem>>, vector<64x1x8x128xf32>,
    %slice3A_102 = vector.extract_strided_slice %dot_general3A_5 {offsets = [0, 1408], sizes = [512, 128], strides = [1, 1]} : vector<512x4096xf32> to vector<512x128xf32>
    %reshape3A_103 = vector.shape_cast %slice3A_102 : vector<512x128xf32> to vector<64x8x128xf32>
    %swap3A_104 = arith.constant 0 : index
    %swap3A_105 = arith.constant 0 : index
    %swap3A_106 = arith.constant 88 : index
    %swap3A_107 = arith.constant 0 : index
    %swap3A_108 = vector.load %arg3[%swap3A_104, %swap3A_105, %swap3A_106, %swap3A_107] : memref<64x1x256x128xf32, #tpu.memory_space<vmem>>, vector<64x1x8x128xf32>
    %swap3A_109 = vector.shape_cast %swap3A_108 : vector<64x1x8x128xf32> to vector<64x8x128xf32>
    %swap3A_110 = vector.shape_cast %reshape3A_103 : vector<64x8x128xf32> to vector<64x1x8x128xf32>
    tpu.vector_store %arg3[%swap3A_104, %swap3A_105, %swap3A_106, %swap3A_107], %swap3A_110 {strides = array<i32>} : memref<64x1x256x128xf32, #tpu.memory_space<vmem>>, vector<64x1x8x128xf32>,
    %slice3A_111 = vector.extract_strided_slice %dot_general3A_5 {offsets = [0, 1536], sizes = [512, 128], strides = [1, 1]} : vector<512x4096xf32> to vector<512x128xf32>
    %reshape3A_112 = vector.shape_cast %slice3A_111 : vector<512x128xf32> to vector<64x8x128xf32>
    %swap3A_113 = arith.constant 0 : index
    %swap3A_114 = arith.constant 0 : index
    %swap3A_115 = arith.constant 96 : index
    %swap3A_116 = arith.constant 0 : index
    %swap3A_117 = vector.load %arg3[%swap3A_113, %swap3A_114, %swap3A_115, %swap3A_116] : memref<64x1x256x128xf32, #tpu.memory_space<vmem>>, vector<64x1x8x128xf32>
    %swap3A_118 = vector.shape_cast %swap3A_117 : vector<64x1x8x128xf32> to vector<64x8x128xf32>
    %swap3A_119 = vector.shape_cast %reshape3A_112 : vector<64x8x128xf32> to vector<64x1x8x128xf32>
    tpu.vector_store %arg3[%swap3A_113, %swap3A_114, %swap3A_115, %swap3A_116], %swap3A_119 {strides = array<i32>} : memref<64x1x256x128xf32, #tpu.memory_space<vmem>>, vector<64x1x8x128xf32>,
    %slice3A_120 = vector.extract_strided_slice %dot_general3A_5 {offsets = [0, 1664], sizes = [512, 128], strides = [1, 1]} : vector<512x4096xf32> to vector<512x128xf32>
    %reshape3A_121 = vector.shape_cast %slice3A_120 : vector<512x128xf32> to vector<64x8x128xf32>
    %swap3A_122 = arith.constant 0 : index
    %swap3A_123 = arith.constant 0 : index
    %swap3A_124 = arith.constant 104 : index
    %swap3A_125 = arith.constant 0 : index
    %swap3A_126 = vector.load %arg3[%swap3A_122, %swap3A_123, %swap3A_124, %swap3A_125] : memref<64x1x256x128xf32, #tpu.memory_space<vmem>>, vector<64x1x8x128xf32>
    %swap3A_127 = vector.shape_cast %swap3A_126 : vector<64x1x8x128xf32> to vector<64x8x128xf32>
    %swap3A_128 = vector.shape_cast %reshape3A_121 : vector<64x8x128xf32> to vector<64x1x8x128xf32>
    tpu.vector_store %arg3[%swap3A_122, %swap3A_123, %swap3A_124, %swap3A_125], %swap3A_128 {strides = array<i32>} : memref<64x1x256x128xf32, #tpu.memory_space<vmem>>, vector<64x1x8x128xf32>,
    %slice3A_129 = vector.extract_strided_slice %dot_general3A_5 {offsets = [0, 1792], sizes = [512, 128], strides = [1, 1]} : vector<512x4096xf32> to vector<512x128xf32>
    %reshape3A_130 = vector.shape_cast %slice3A_129 : vector<512x128xf32> to vector<64x8x128xf32>
    %swap3A_131 = arith.constant 0 : index
    %swap3A_132 = arith.constant 0 : index
    %swap3A_133 = arith.constant 112 : index
    %swap3A_134 = arith.constant 0 : index
    %swap3A_135 = vector.load %arg3[%swap3A_131, %swap3A_132, %swap3A_133, %swap3A_134] : memref<64x1x256x128xf32, #tpu.memory_space<vmem>>, vector<64x1x8x128xf32>
    %swap3A_136 = vector.shape_cast %swap3A_135 : vector<64x1x8x128xf32> to vector<64x8x128xf32>
    %swap3A_137 = vector.shape_cast %reshape3A_130 : vector<64x8x128xf32> to vector<64x1x8x128xf32>
    tpu.vector_store %arg3[%swap3A_131, %swap3A_132, %swap3A_133, %swap3A_134], %swap3A_137 {strides = array<i32>} : memref<64x1x256x128xf32, #tpu.memory_space<vmem>>, vector<64x1x8x128xf32>,
    %slice3A_138 = vector.extract_strided_slice %dot_general3A_5 {offsets = [0, 1920], sizes = [512, 128], strides = [1, 1]} : vector<512x4096xf32> to vector<512x128xf32>
    %reshape3A_139 = vector.shape_cast %slice3A_138 : vector<512x128xf32> to vector<64x8x128xf32>
    %swap3A_140 = arith.constant 0 : index
    %swap3A_141 = arith.constant 0 : index
    %swap3A_142 = arith.constant 120 : index
    %swap3A_143 = arith.constant 0 : index
    %swap3A_144 = vector.load %arg3[%swap3A_140, %swap3A_141, %swap3A_142, %swap3A_143] : memref<64x1x256x128xf32, #tpu.memory_space<vmem>>, vector<64x1x8x128xf32>
    %swap3A_145 = vector.shape_cast %swap3A_144 : vector<64x1x8x128xf32> to vector<64x8x128xf32>
    %swap3A_146 = vector.shape_cast %reshape3A_139 : vector<64x8x128xf32> to vector<64x1x8x128xf32>
    tpu.vector_store %arg3[%swap3A_140, %swap3A_141, %swap3A_142, %swap3A_143], %swap3A_146 {strides = array<i32>} : memref<64x1x256x128xf32, #tpu.memory_space<vmem>>, vector<64x1x8x128xf32>,
    %slice3A_147 = vector.extract_strided_slice %dot_general3A_5 {offsets = [0, 2048], sizes = [512, 128], strides = [1, 1]} : vector<512x4096xf32> to vector<512x128xf32>
    %reshape3A_148 = vector.shape_cast %slice3A_147 : vector<512x128xf32> to vector<64x8x128xf32>
    %swap3A_149 = arith.constant 0 : index
    %swap3A_150 = arith.constant 0 : index
    %swap3A_151 = arith.constant 128 : index
    %swap3A_152 = arith.constant 0 : index
    %swap3A_153 = vector.load %arg3[%swap3A_149, %swap3A_150, %swap3A_151, %swap3A_152] : memref<64x1x256x128xf32, #tpu.memory_space<vmem>>, vector<64x1x8x128xf32>
    %swap3A_154 = vector.shape_cast %swap3A_153 : vector<64x1x8x128xf32> to vector<64x8x128xf32>
    %swap3A_155 = vector.shape_cast %reshape3A_148 : vector<64x8x128xf32> to vector<64x1x8x128xf32>
    tpu.vector_store %arg3[%swap3A_149, %swap3A_150, %swap3A_151, %swap3A_152], %swap3A_155 {strides = array<i32>} : memref<64x1x256x128xf32, #tpu.memory_space<vmem>>, vector<64x1x8x128xf32>,
    %slice3A_156 = vector.extract_strided_slice %dot_general3A_5 {offsets = [0, 2176], sizes = [512, 128], strides = [1, 1]} : vector<512x4096xf32> to vector<512x128xf32>
    %reshape3A_157 = vector.shape_cast %slice3A_156 : vector<512x128xf32> to vector<64x8x128xf32>
    %swap3A_158 = arith.constant 0 : index
    %swap3A_159 = arith.constant 0 : index
    %swap3A_160 = arith.constant 136 : index
    %swap3A_161 = arith.constant 0 : index
    %swap3A_162 = vector.load %arg3[%swap3A_158, %swap3A_159, %swap3A_160, %swap3A_161] : memref<64x1x256x128xf32, #tpu.memory_space<vmem>>, vector<64x1x8x128xf32>
    %swap3A_163 = vector.shape_cast %swap3A_162 : vector<64x1x8x128xf32> to vector<64x8x128xf32>
    %swap3A_164 = vector.shape_cast %reshape3A_157 : vector<64x8x128xf32> to vector<64x1x8x128xf32>
    tpu.vector_store %arg3[%swap3A_158, %swap3A_159, %swap3A_160, %swap3A_161], %swap3A_164 {strides = array<i32>} : memref<64x1x256x128xf32, #tpu.memory_space<vmem>>, vector<64x1x8x128xf32>,
    %slice3A_165 = vector.extract_strided_slice %dot_general3A_5 {offsets = [0, 2304], sizes = [512, 128], strides = [1, 1]} : vector<512x4096xf32> to vector<512x128xf32>
    %reshape3A_166 = vector.shape_cast %slice3A_165 : vector<512x128xf32> to vector<64x8x128xf32>
    %swap3A_167 = arith.constant 0 : index
    %swap3A_168 = arith.constant 0 : index
    %swap3A_169 = arith.constant 144 : index
    %swap3A_170 = arith.constant 0 : index
    %swap3A_171 = vector.load %arg3[%swap3A_167, %swap3A_168, %swap3A_169, %swap3A_170] : memref<64x1x256x128xf32, #tpu.memory_space<vmem>>, vector<64x1x8x128xf32>
    %swap3A_172 = vector.shape_cast %swap3A_171 : vector<64x1x8x128xf32> to vector<64x8x128xf32>
    %swap3A_173 = vector.shape_cast %reshape3A_166 : vector<64x8x128xf32> to vector<64x1x8x128xf32>
    tpu.vector_store %arg3[%swap3A_167, %swap3A_168, %swap3A_169, %swap3A_170], %swap3A_173 {strides = array<i32>} : memref<64x1x256x128xf32, #tpu.memory_space<vmem>>, vector<64x1x8x128xf32>,
    %slice3A_174 = vector.extract_strided_slice %dot_general3A_5 {offsets = [0, 2432], sizes = [512, 128], strides = [1, 1]} : vector<512x4096xf32> to vector<512x128xf32>
    %reshape3A_175 = vector.shape_cast %slice3A_174 : vector<512x128xf32> to vector<64x8x128xf32>
    %swap3A_176 = arith.constant 0 : index
    %swap3A_177 = arith.constant 0 : index
    %swap3A_178 = arith.constant 152 : index
    %swap3A_179 = arith.constant 0 : index
    %swap3A_180 = vector.load %arg3[%swap3A_176, %swap3A_177, %swap3A_178, %swap3A_179] : memref<64x1x256x128xf32, #tpu.memory_space<vmem>>, vector<64x1x8x128xf32>
    %swap3A_181 = vector.shape_cast %swap3A_180 : vector<64x1x8x128xf32> to vector<64x8x128xf32>
    %swap3A_182 = vector.shape_cast %reshape3A_175 : vector<64x8x128xf32> to vector<64x1x8x128xf32>
    tpu.vector_store %arg3[%swap3A_176, %swap3A_177, %swap3A_178, %swap3A_179], %swap3A_182 {strides = array<i32>} : memref<64x1x256x128xf32, #tpu.memory_space<vmem>>, vector<64x1x8x128xf32>,
    %slice3A_183 = vector.extract_strided_slice %dot_general3A_5 {offsets = [0, 2560], sizes = [512, 128], strides = [1, 1]} : vector<512x4096xf32> to vector<512x128xf32>
    %reshape3A_184 = vector.shape_cast %slice3A_183 : vector<512x128xf32> to vector<64x8x128xf32>
    %swap3A_185 = arith.constant 0 : index
    %swap3A_186 = arith.constant 0 : index
    %swap3A_187 = arith.constant 160 : index
    %swap3A_188 = arith.constant 0 : index
    %swap3A_189 = vector.load %arg3[%swap3A_185, %swap3A_186, %swap3A_187, %swap3A_188] : memref<64x1x256x128xf32, #tpu.memory_space<vmem>>, vector<64x1x8x128xf32>
    %swap3A_190 = vector.shape_cast %swap3A_189 : vector<64x1x8x128xf32> to vector<64x8x128xf32>
    %swap3A_191 = vector.shape_cast %reshape3A_184 : vector<64x8x128xf32> to vector<64x1x8x128xf32>
    tpu.vector_store %arg3[%swap3A_185, %swap3A_186, %swap3A_187, %swap3A_188], %swap3A_191 {strides = array<i32>} : memref<64x1x256x128xf32, #tpu.memory_space<vmem>>, vector<64x1x8x128xf32>,
    %slice3A_192 = vector.extract_strided_slice %dot_general3A_5 {offsets = [0, 2688], sizes = [512, 128], strides = [1, 1]} : vector<512x4096xf32> to vector<512x128xf32>
    %reshape3A_193 = vector.shape_cast %slice3A_192 : vector<512x128xf32> to vector<64x8x128xf32>
    %swap3A_194 = arith.constant 0 : index
    %swap3A_195 = arith.constant 0 : index
    %swap3A_196 = arith.constant 168 : index
    %swap3A_197 = arith.constant 0 : index
    %swap3A_198 = vector.load %arg3[%swap3A_194, %swap3A_195, %swap3A_196, %swap3A_197] : memref<64x1x256x128xf32, #tpu.memory_space<vmem>>, vector<64x1x8x128xf32>
    %swap3A_199 = vector.shape_cast %swap3A_198 : vector<64x1x8x128xf32> to vector<64x8x128xf32>
    %swap3A_200 = vector.shape_cast %reshape3A_193 : vector<64x8x128xf32> to vector<64x1x8x128xf32>
    tpu.vector_store %arg3[%swap3A_194, %swap3A_195, %swap3A_196, %swap3A_197], %swap3A_200 {strides = array<i32>} : memref<64x1x256x128xf32, #tpu.memory_space<vmem>>, vector<64x1x8x128xf32>,
    %slice3A_201 = vector.extract_strided_slice %dot_general3A_5 {offsets = [0, 2816], sizes = [512, 128], strides = [1, 1]} : vector<512x4096xf32> to vector<512x128xf32>
    %reshape3A_202 = vector.shape_cast %slice3A_201 : vector<512x128xf32> to vector<64x8x128xf32>
    %swap3A_203 = arith.constant 0 : index
    %swap3A_204 = arith.constant 0 : index
    %swap3A_205 = arith.constant 176 : index
    %swap3A_206 = arith.constant 0 : index
    %swap3A_207 = vector.load %arg3[%swap3A_203, %swap3A_204, %swap3A_205, %swap3A_206] : memref<64x1x256x128xf32, #tpu.memory_space<vmem>>, vector<64x1x8x128xf32>
    %swap3A_208 = vector.shape_cast %swap3A_207 : vector<64x1x8x128xf32> to vector<64x8x128xf32>
    %swap3A_209 = vector.shape_cast %reshape3A_202 : vector<64x8x128xf32> to vector<64x1x8x128xf32>
    tpu.vector_store %arg3[%swap3A_203, %swap3A_204, %swap3A_205, %swap3A_206], %swap3A_209 {strides = array<i32>} : memref<64x1x256x128xf32, #tpu.memory_space<vmem>>, vector<64x1x8x128xf32>,
    %slice3A_210 = vector.extract_strided_slice %dot_general3A_5 {offsets = [0, 2944], sizes = [512, 128], strides = [1, 1]} : vector<512x4096xf32> to vector<512x128xf32>
    %reshape3A_211 = vector.shape_cast %slice3A_210 : vector<512x128xf32> to vector<64x8x128xf32>
    %swap3A_212 = arith.constant 0 : index
    %swap3A_213 = arith.constant 0 : index
    %swap3A_214 = arith.constant 184 : index
    %swap3A_215 = arith.constant 0 : index
    %swap3A_216 = vector.load %arg3[%swap3A_212, %swap3A_213, %swap3A_214, %swap3A_215] : memref<64x1x256x128xf32, #tpu.memory_space<vmem>>, vector<64x1x8x128xf32>
    %swap3A_217 = vector.shape_cast %swap3A_216 : vector<64x1x8x128xf32> to vector<64x8x128xf32>
    %swap3A_218 = vector.shape_cast %reshape3A_211 : vector<64x8x128xf32> to vector<64x1x8x128xf32>
    tpu.vector_store %arg3[%swap3A_212, %swap3A_213, %swap3A_214, %swap3A_215], %swap3A_218 {strides = array<i32>} : memref<64x1x256x128xf32, #tpu.memory_space<vmem>>, vector<64x1x8x128xf32>,
    %slice3A_219 = vector.extract_strided_slice %dot_general3A_5 {offsets = [0, 3072], sizes = [512, 128], strides = [1, 1]} : vector<512x4096xf32> to vector<512x128xf32>
    %reshape3A_220 = vector.shape_cast %slice3A_219 : vector<512x128xf32> to vector<64x8x128xf32>
    %swap3A_221 = arith.constant 0 : index
    %swap3A_222 = arith.constant 0 : index
    %swap3A_223 = arith.constant 192 : index
    %swap3A_224 = arith.constant 0 : index
    %swap3A_225 = vector.load %arg3[%swap3A_221, %swap3A_222, %swap3A_223, %swap3A_224] : memref<64x1x256x128xf32, #tpu.memory_space<vmem>>, vector<64x1x8x128xf32>
    %swap3A_226 = vector.shape_cast %swap3A_225 : vector<64x1x8x128xf32> to vector<64x8x128xf32>
    %swap3A_227 = vector.shape_cast %reshape3A_220 : vector<64x8x128xf32> to vector<64x1x8x128xf32>
    tpu.vector_store %arg3[%swap3A_221, %swap3A_222, %swap3A_223, %swap3A_224], %swap3A_227 {strides = array<i32>} : memref<64x1x256x128xf32, #tpu.memory_space<vmem>>, vector<64x1x8x128xf32>,
    %slice3A_228 = vector.extract_strided_slice %dot_general3A_5 {offsets = [0, 3200], sizes = [512, 128], strides = [1, 1]} : vector<512x4096xf32> to vector<512x128xf32>
    %reshape3A_229 = vector.shape_cast %slice3A_228 : vector<512x128xf32> to vector<64x8x128xf32>
    %swap3A_230 = arith.constant 0 : index
    %swap3A_231 = arith.constant 0 : index
    %swap3A_232 = arith.constant 200 : index
    %swap3A_233 = arith.constant 0 : index
    %swap3A_234 = vector.load %arg3[%swap3A_230, %swap3A_231, %swap3A_232, %swap3A_233] : memref<64x1x256x128xf32, #tpu.memory_space<vmem>>, vector<64x1x8x128xf32>
    %swap3A_235 = vector.shape_cast %swap3A_234 : vector<64x1x8x128xf32> to vector<64x8x128xf32>
    %swap3A_236 = vector.shape_cast %reshape3A_229 : vector<64x8x128xf32> to vector<64x1x8x128xf32>
    tpu.vector_store %arg3[%swap3A_230, %swap3A_231, %swap3A_232, %swap3A_233], %swap3A_236 {strides = array<i32>} : memref<64x1x256x128xf32, #tpu.memory_space<vmem>>, vector<64x1x8x128xf32>,
    %slice3A_237 = vector.extract_strided_slice %dot_general3A_5 {offsets = [0, 3328], sizes = [512, 128], strides = [1, 1]} : vector<512x4096xf32> to vector<512x128xf32>
    %reshape3A_238 = vector.shape_cast %slice3A_237 : vector<512x128xf32> to vector<64x8x128xf32>
    %swap3A_239 = arith.constant 0 : index
    %swap3A_240 = arith.constant 0 : index
    %swap3A_241 = arith.constant 208 : index
    %swap3A_242 = arith.constant 0 : index
    %swap3A_243 = vector.load %arg3[%swap3A_239, %swap3A_240, %swap3A_241, %swap3A_242] : memref<64x1x256x128xf32, #tpu.memory_space<vmem>>, vector<64x1x8x128xf32>
    %swap3A_244 = vector.shape_cast %swap3A_243 : vector<64x1x8x128xf32> to vector<64x8x128xf32>
    %swap3A_245 = vector.shape_cast %reshape3A_238 : vector<64x8x128xf32> to vector<64x1x8x128xf32>
    tpu.vector_store %arg3[%swap3A_239, %swap3A_240, %swap3A_241, %swap3A_242], %swap3A_245 {strides = array<i32>} : memref<64x1x256x128xf32, #tpu.memory_space<vmem>>, vector<64x1x8x128xf32>,
    %slice3A_246 = vector.extract_strided_slice %dot_general3A_5 {offsets = [0, 3456], sizes = [512, 128], strides = [1, 1]} : vector<512x4096xf32> to vector<512x128xf32>
    %reshape3A_247 = vector.shape_cast %slice3A_246 : vector<512x128xf32> to vector<64x8x128xf32>
    %swap3A_248 = arith.constant 0 : index
    %swap3A_249 = arith.constant 0 : index
    %swap3A_250 = arith.constant 216 : index
    %swap3A_251 = arith.constant 0 : index
    %swap3A_252 = vector.load %arg3[%swap3A_248, %swap3A_249, %swap3A_250, %swap3A_251] : memref<64x1x256x128xf32, #tpu.memory_space<vmem>>, vector<64x1x8x128xf32>
    %swap3A_253 = vector.shape_cast %swap3A_252 : vector<64x1x8x128xf32> to vector<64x8x128xf32>
    %swap3A_254 = vector.shape_cast %reshape3A_247 : vector<64x8x128xf32> to vector<64x1x8x128xf32>
    tpu.vector_store %arg3[%swap3A_248, %swap3A_249, %swap3A_250, %swap3A_251], %swap3A_254 {strides = array<i32>} : memref<64x1x256x128xf32, #tpu.memory_space<vmem>>, vector<64x1x8x128xf32>,
    %slice3A_255 = vector.extract_strided_slice %dot_general3A_5 {offsets = [0, 3584], sizes = [512, 128], strides = [1, 1]} : vector<512x4096xf32> to vector<512x128xf32>
    %reshape3A_256 = vector.shape_cast %slice3A_255 : vector<512x128xf32> to vector<64x8x128xf32>
    %swap3A_257 = arith.constant 0 : index
    %swap3A_258 = arith.constant 0 : index
    %swap3A_259 = arith.constant 224 : index
    %swap3A_260 = arith.constant 0 : index
    %swap3A_261 = vector.load %arg3[%swap3A_257, %swap3A_258, %swap3A_259, %swap3A_260] : memref<64x1x256x128xf32, #tpu.memory_space<vmem>>, vector<64x1x8x128xf32>
    %swap3A_262 = vector.shape_cast %swap3A_261 : vector<64x1x8x128xf32> to vector<64x8x128xf32>
    %swap3A_263 = vector.shape_cast %reshape3A_256 : vector<64x8x128xf32> to vector<64x1x8x128xf32>
    tpu.vector_store %arg3[%swap3A_257, %swap3A_258, %swap3A_259, %swap3A_260], %swap3A_263 {strides = array<i32>} : memref<64x1x256x128xf32, #tpu.memory_space<vmem>>, vector<64x1x8x128xf32>,
    %slice3A_264 = vector.extract_strided_slice %dot_general3A_5 {offsets = [0, 3712], sizes = [512, 128], strides = [1, 1]} : vector<512x4096xf32> to vector<512x128xf32>
    %reshape3A_265 = vector.shape_cast %slice3A_264 : vector<512x128xf32> to vector<64x8x128xf32>
    %swap3A_266 = arith.constant 0 : index
    %swap3A_267 = arith.constant 0 : index
    %swap3A_268 = arith.constant 232 : index
    %swap3A_269 = arith.constant 0 : index
    %swap3A_270 = vector.load %arg3[%swap3A_266, %swap3A_267, %swap3A_268, %swap3A_269] : memref<64x1x256x128xf32, #tpu.memory_space<vmem>>, vector<64x1x8x128xf32>
    %swap3A_271 = vector.shape_cast %swap3A_270 : vector<64x1x8x128xf32> to vector<64x8x128xf32>
    %swap3A_272 = vector.shape_cast %reshape3A_265 : vector<64x8x128xf32> to vector<64x1x8x128xf32>
    tpu.vector_store %arg3[%swap3A_266, %swap3A_267, %swap3A_268, %swap3A_269], %swap3A_272 {strides = array<i32>} : memref<64x1x256x128xf32, #tpu.memory_space<vmem>>, vector<64x1x8x128xf32>,
    %slice3A_273 = vector.extract_strided_slice %dot_general3A_5 {offsets = [0, 3840], sizes = [512, 128], strides = [1, 1]} : vector<512x4096xf32> to vector<512x128xf32>
    %reshape3A_274 = vector.shape_cast %slice3A_273 : vector<512x128xf32> to vector<64x8x128xf32>
    %swap3A_275 = arith.constant 0 : index
    %swap3A_276 = arith.constant 0 : index
    %swap3A_277 = arith.constant 240 : index
    %swap3A_278 = arith.constant 0 : index
    %swap3A_279 = vector.load %arg3[%swap3A_275, %swap3A_276, %swap3A_277, %swap3A_278] : memref<64x1x256x128xf32, #tpu.memory_space<vmem>>, vector<64x1x8x128xf32>
    %swap3A_280 = vector.shape_cast %swap3A_279 : vector<64x1x8x128xf32> to vector<64x8x128xf32>
    %swap3A_281 = vector.shape_cast %reshape3A_274 : vector<64x8x128xf32> to vector<64x1x8x128xf32>
    tpu.vector_store %arg3[%swap3A_275, %swap3A_276, %swap3A_277, %swap3A_278], %swap3A_281 {strides = array<i32>} : memref<64x1x256x128xf32, #tpu.memory_space<vmem>>, vector<64x1x8x128xf32>,
    %slice3A_282 = vector.extract_strided_slice %dot_general3A_5 {offsets = [0, 3968], sizes = [512, 128], strides = [1, 1]} : vector<512x4096xf32> to vector<512x128xf32>
    %reshape3A_283 = vector.shape_cast %slice3A_282 : vector<512x128xf32> to vector<64x8x128xf32>
    %swap3A_284 = arith.constant 0 : index
    %swap3A_285 = arith.constant 0 : index
    %swap3A_286 = arith.constant 248 : index
    %swap3A_287 = arith.constant 0 : index
    %swap3A_288 = vector.load %arg3[%swap3A_284, %swap3A_285, %swap3A_286, %swap3A_287] : memref<64x1x256x128xf32, #tpu.memory_space<vmem>>, vector<64x1x8x128xf32>
    %swap3A_289 = vector.shape_cast %swap3A_288 : vector<64x1x8x128xf32> to vector<64x8x128xf32>
    %swap3A_290 = vector.shape_cast %reshape3A_283 : vector<64x8x128xf32> to vector<64x1x8x128xf32>
    tpu.vector_store %arg3[%swap3A_284, %swap3A_285, %swap3A_286, %swap3A_287], %swap3A_290 {strides = array<i32>} : memref<64x1x256x128xf32, #tpu.memory_space<vmem>>, vector<64x1x8x128xf32>,
    %dot_general3A_291 = arith.constant dense<0.000000e+00> : vector<4096x512xf32>
    %dot_general3A_292 = tpu.matmul %get3A_4, %get3A_1, %dot_general3A_291 {dimension_numbers = #tpu.dot_dimension_numbers<[1], [1], [0], [0], [0, 0, 1, 0], [], []>, transpose_lhs_hint = false} : vector<4096x128xf32>, vector<512x128xf32>, vector<4096x512xf32> -> vector<4096x512xf32>
    %reshape3A_293 = vector.shape_cast %dot_general3A_292 : vector<4096x512xf32> to vector<128x32x512xf32>
    %reduce_max3A = arith.constant dense<0xFF800000> : vector<128x512xf32>
    %reduce_max3A_294 = vector.multi_reduction <maximumf>, %reshape3A_293, %reduce_max3A [1] : vector<128x32x512xf32> to vector<128x512xf32>
    %swap3A_295 = arith.constant 0 : index
    %swap3A_296 = arith.constant 0 : index
    %swap3A_297 = vector.load %arg4[%swap3A_295, %swap3A_296] : memref<128x512xf32, #tpu.memory_space<vmem>>, vector<128x512xf32>
    tpu.vector_store %arg4[%swap3A_295, %swap3A_296], %reduce_max3A_294 {strides = array<i32>} : memref<128x512xf32, #tpu.memory_space<vmem>>, vector<128x512xf32>,
    %iota3A = tpu.iota {dimensions = array<i32: 1>} : vector<128x32x512xi32>
    %broadcast_in_dim3A = vector.shape_cast %reduce_max3A_294 : vector<128x512xf32> to vector<128x1x512xf32>
    %eq3A = vector.broadcast %broadcast_in_dim3A : vector<128x1x512xf32> to vector<128x32x512xf32>
    %eq3A_298 = arith.cmpf oeq, %reshape3A_293, %eq3A : vector<128x32x512xf32>
    %jit3A = arith.constant 2147483647 : i32
    %broadcast_in_dim3A_299 = vector.broadcast %jit3A : i32 to vector<128x32x512xi32>
    %select_n3A = arith.select %eq3A_298, %iota3A, %broadcast_in_dim3A_299 : vector<128x32x512xi1>, vector<128x32x512xi32>
    %reduce_min3A = arith.constant dense<2147483647> : vector<128x512xi32>
    %reduce_min3A_300 = vector.multi_reduction <minsi>, %select_n3A, %reduce_min3A [1] : vector<128x32x512xi32> to vector<128x512xi32>
    %iota3A_301 = tpu.iota {dimensions = array<i32: 0>} : vector<128x512xi32>
    %mul3A = arith.constant 4096 : i32
    %mul3A_302 = arith.muli %arg0, %mul3A : i32
    %mul3A_303 = arith.constant 32 : i32
    %mul3A_304 = vector.broadcast %mul3A_303 : i32 to vector<128x512xi32>
    %mul3A_305 = arith.muli %iota3A_301, %mul3A_304 : vector<128x512xi32>
    %add3A = vector.broadcast %mul3A_302 : i32 to vector<128x512xi32>
    %add3A_306 = arith.addi %add3A, %mul3A_305 : vector<128x512xi32>
    %add3A_307 = arith.addi %add3A_306, %reduce_min3A_300 : vector<128x512xi32>
    %swap3A_308 = arith.constant 0 : index
    %swap3A_309 = arith.constant 0 : index
    %swap3A_310 = vector.load %arg5[%swap3A_308, %swap3A_309] : memref<128x512xi32, #tpu.memory_space<vmem>>, vector<128x512xi32>
    tpu.vector_store %arg5[%swap3A_308, %swap3A_309], %add3A_307 {strides = array<i32>} : memref<128x512xi32, #tpu.memory_space<vmem>>, vector<128x512xi32>,
    %reshape3A_311 = vector.shape_cast %reduce_max3A_294 : vector<128x512xf32> to vector<32x4x512xf32>
    %reshape3A_312 = vector.shape_cast %add3A_307 : vector<128x512xi32> to vector<32x4x512xi32>
    %reduce_max3A_313 = arith.constant dense<0xFF800000> : vector<32x512xf32>
    %reduce_max3A_314 = vector.multi_reduction <maximumf>, %reshape3A_311, %reduce_max3A_313 [1] : vector<32x4x512xf32> to vector<32x512xf32>
    %swap3A_315 = arith.constant 0 : index
    %swap3A_316 = arith.constant 0 : index
    %swap3A_317 = vector.load %arg6[%swap3A_315, %swap3A_316] : memref<32x512xf32, #tpu.memory_space<vmem>>, vector<32x512xf32>
    tpu.vector_store %arg6[%swap3A_315, %swap3A_316], %reduce_max3A_314 {strides = array<i32>} : memref<32x512xf32, #tpu.memory_space<vmem>>, vector<32x512xf32>,
    %broadcast_in_dim3A_318 = vector.shape_cast %reduce_max3A_314 : vector<32x512xf32> to vector<32x1x512xf32>
    %eq3A_319 = vector.broadcast %broadcast_in_dim3A_318 : vector<32x1x512xf32> to vector<32x4x512xf32>
    %eq3A_320 = arith.cmpf oeq, %reshape3A_311, %eq3A_319 : vector<32x4x512xf32>
    %jit3A_321 = arith.constant 2147483647 : i32
    %broadcast_in_dim3A_322 = vector.broadcast %jit3A_321 : i32 to vector<32x4x512xi32>
    %select_n3A_323 = arith.select %eq3A_320, %reshape3A_312, %broadcast_in_dim3A_322 : vector<32x4x512xi1>, vector<32x4x512xi32>
    %reduce_min3A_324 = arith.constant dense<2147483647> : vector<32x512xi32>
    %reduce_min3A_325 = vector.multi_reduction <minsi>, %select_n3A_323, %reduce_min3A_324 [1] : vector<32x4x512xi32> to vector<32x512xi32>
    %swap3A_326 = arith.constant 0 : index
    %swap3A_327 = arith.constant 0 : index
    %swap3A_328 = vector.load %arg7[%swap3A_326, %swap3A_327] : memref<32x512xi32, #tpu.memory_space<vmem>>, vector<32x512xi32>
    tpu.vector_store %arg7[%swap3A_326, %swap3A_327], %reduce_min3A_325 {strides = array<i32>} : memref<32x512xi32, #tpu.memory_space<vmem>>, vector<32x512xi32>,
    return
  }
  func.func @transform_0(%arg0: i32) -> (i32, i32) {
    %c0_i32 = arith.constant 0 : i32
    %c0_i32_0 = arith.constant 0 : i32
    %c0_i32_1 = arith.constant 0 : i32
    return %c0_i32, %c0_i32_0 : i32, i32
  }
  func.func @transform_1(%arg0: i32) -> (i32, i32) {
    %c0_i32 = arith.constant 0 : i32
    %c0_i32_0 = arith.constant 0 : i32
    return %arg0, %c0_i32 : i32, i32
  }
  func.func @transform_2(%arg0: i32) -> (i32, i32, i32, i32) {
    %c0_i32 = arith.constant 0 : i32
    %c0_i32_0 = arith.constant 0 : i32
    %c0_i32_1 = arith.constant 0 : i32
    %c0_i32_2 = arith.constant 0 : i32
    return %c0_i32, %arg0, %c0_i32_0, %c0_i32_1 : i32, i32, i32, i32
  }
  func.func @transform_3(%arg0: i32) -> (i32, i32) {
    %c0_i32 = arith.constant 0 : i32
    %c0_i32_0 = arith.constant 0 : i32
    return %arg0, %c0_i32 : i32, i32
  }
  func.func @transform_4(%arg0: i32) -> (i32, i32) {
    %c0_i32 = arith.constant 0 : i32
    %c0_i32_0 = arith.constant 0 : i32
    return %arg0, %c0_i32 : i32, i32
  }
  func.func @transform_5(%arg0: i32) -> (i32, i32) {
    %c0_i32 = arith.constant 0 : i32
    %c0_i32_0 = arith.constant 0 : i32
    return %arg0, %c0_i32 : i32, i32
  }
  func.func @transform_6(%arg0: i32) -> (i32, i32) {
    %c0_i32 = arith.constant 0 : i32
    %c0_i32_0 = arith.constant 0 : i32
    return %arg0, %c0_i32 : i32, i32
  }
}

module attributes {stable_mosaic.version = 14 : i64} {
  func.func @_b_body(%arg0: i32, %arg1: memref<256x1024xf32, #tpu.memory_space<vmem>>, %arg2: memref<256x1024xi32, #tpu.memory_space<vmem>>, %arg3: memref<256x32xi32, #tpu.memory_space<vmem>>, %arg4: memref<256x1024xf32, #tpu.memory_space<vmem>>) attributes {dimension_semantics = [#tpu.dimension_semantics<arbitrary>], iteration_bounds = array<i64: 2>, scalar_prefetch = 0 : i64, scratch_operands = 1 : i64, tpu.core_type = #tpu.core_type<tc>, window_params = [{transform_indices = @transform_0, window_bounds = array<i64: 256, 1024>}, {transform_indices = @transform_1, window_bounds = array<i64: 256, 1024>}, {transform_indices = @transform_2, window_bounds = array<i64: 256, 32>}]} {
    %get3A = arith.constant 0 : index
    %get3A_0 = arith.constant 0 : index
    %get3A_1 = vector.load %arg1[%get3A, %get3A_0] : memref<256x1024xf32, #tpu.memory_space<vmem>>, vector<256x1024xf32>
    %swap3A = arith.constant 0 : index
    %swap3A_2 = arith.constant 0 : index
    %swap3A_3 = vector.load %arg4[%swap3A, %swap3A_2] : memref<256x1024xf32, #tpu.memory_space<vmem>>, vector<256x1024xf32>
    tpu.vector_store %arg4[%swap3A, %swap3A_2], %get3A_1 {strides = array<i32>} : memref<256x1024xf32, #tpu.memory_space<vmem>>, vector<256x1024xf32>,
    %get3A_4 = arith.constant 0 : index
    %get3A_5 = arith.constant 0 : index
    %get3A_6 = vector.load %arg2[%get3A_4, %get3A_5] : memref<256x1024xi32, #tpu.memory_space<vmem>>, vector<256x1024xi32>
    %iota3A = tpu.iota {dimensions = array<i32: 1>} : vector<256x1024xi32>
    %iota3A_7 = tpu.iota {dimensions = array<i32: 1>} : vector<256x32xi32>
    %broadcast_in_dim3A = arith.constant 0 : i32
    %broadcast_in_dim3A_8 = vector.broadcast %broadcast_in_dim3A : i32 to vector<256x32xi32>
    %scan3A = arith.constant 0 : i32
    %scan3A_9 = arith.constant 32 : i32
    %scan3A_10 = arith.addi %scan3A, %scan3A_9 : i32
    %scan3A_11 = arith.constant 1 : i32
    %scan3A_12 = scf.for %scan3A_17 = %scan3A to %scan3A_10 step %scan3A_11 iter_args(%scan3A_18 = %broadcast_in_dim3A_8) -> (vector<256x32xi32>)  : i32 {
      %get3A_19 = arith.constant 0 : index
      %get3A_20 = arith.constant 0 : index
      %get3A_21 = vector.load %arg4[%get3A_19, %get3A_20] : memref<256x1024xf32, #tpu.memory_space<vmem>>, vector<256x1024xf32>
      %reduce_max3A = arith.constant dense<0xFF800000> : vector<256xf32>
      %reduce_max3A_22 = vector.multi_reduction <maximumf>, %get3A_21, %reduce_max3A [1] : vector<256x1024xf32> to vector<256xf32>
      %broadcast_in_dim3A_23 = vector.shape_cast %reduce_max3A_22 : vector<256xf32> to vector<256x1xf32>
      %eq3A = vector.broadcast %broadcast_in_dim3A_23 : vector<256x1xf32> to vector<256x1024xf32>
      %eq3A_24 = arith.cmpf oeq, %get3A_21, %eq3A : vector<256x1024xf32>
      %jit3A = arith.constant 2147483647 : i32
      %broadcast_in_dim3A_25 = vector.broadcast %jit3A : i32 to vector<256x1024xi32>
      %select_n3A = arith.select %eq3A_24, %get3A_6, %broadcast_in_dim3A_25 : vector<256x1024xi1>, vector<256x1024xi32>
      %reduce_min3A = arith.constant dense<2147483647> : vector<256xi32>
      %reduce_min3A_26 = vector.multi_reduction <minsi>, %select_n3A, %reduce_min3A [1] : vector<256x1024xi32> to vector<256xi32>
      %broadcast_in_dim3A_27 = vector.shape_cast %reduce_min3A_26 : vector<256xi32> to vector<256x1xi32>
      %shift_right_logical3A = arith.constant 7 : i32
      %shift_right_logical3A_28 = vector.broadcast %shift_right_logical3A : i32 to vector<256x1xi32>
      %shift_right_logical3A_29 = arith.shrui %broadcast_in_dim3A_27, %shift_right_logical3A_28 : vector<256x1xi32>
      %eq3A_30 = vector.broadcast %shift_right_logical3A_29 : vector<256x1xi32> to vector<256x1024xi32>
      %eq3A_31 = arith.cmpi eq, %iota3A, %eq3A_30 : vector<256x1024xi32>
      %jit3A_32 = arith.constant 0xFF800000 : f32
      %broadcast_in_dim3A_33 = vector.broadcast %jit3A_32 : f32 to vector<256x1024xf32>
      %select_n3A_34 = arith.select %eq3A_31, %broadcast_in_dim3A_33, %get3A_21 : vector<256x1024xi1>, vector<256x1024xf32>
      %swap3A_35 = arith.constant 0 : index
      %swap3A_36 = arith.constant 0 : index
      %swap3A_37 = vector.load %arg4[%swap3A_35, %swap3A_36] : memref<256x1024xf32, #tpu.memory_space<vmem>>, vector<256x1024xf32>
      tpu.vector_store %arg4[%swap3A_35, %swap3A_36], %select_n3A_34 {strides = array<i32>} : memref<256x1024xf32, #tpu.memory_space<vmem>>, vector<256x1024xf32>,
      %eq3A_38 = vector.broadcast %scan3A_17 : i32 to vector<256x32xi32>
      %eq3A_39 = arith.cmpi eq, %iota3A_7, %eq3A_38 : vector<256x32xi32>
      %broadcast_in_dim3A_40 = vector.shape_cast %shift_right_logical3A_29 : vector<256x1xi32> to vector<256x1xi32>
      %broadcast_in_dim3A_41 = vector.broadcast %broadcast_in_dim3A_40 : vector<256x1xi32> to vector<256x32xi32>
      %select_n3A_42 = arith.select %eq3A_39, %broadcast_in_dim3A_41, %scan3A_18 : vector<256x32xi1>, vector<256x32xi32>
      scf.yield %select_n3A_42 : vector<256x32xi32>
    }
    %scan3A_13 = arith.constant 32 : i32
    %swap3A_14 = arith.constant 0 : index
    %swap3A_15 = arith.constant 0 : index
    %swap3A_16 = vector.load %arg3[%swap3A_14, %swap3A_15] : memref<256x32xi32, #tpu.memory_space<vmem>>, vector<256x32xi32>
    tpu.vector_store %arg3[%swap3A_14, %swap3A_15], %scan3A_12 {strides = array<i32>} : memref<256x32xi32, #tpu.memory_space<vmem>>, vector<256x32xi32>,
    return
  }
  func.func @transform_0(%arg0: i32) -> (i32, i32) {
    %c0_i32 = arith.constant 0 : i32
    %c0_i32_0 = arith.constant 0 : i32
    return %arg0, %c0_i32 : i32, i32
  }
  func.func @transform_1(%arg0: i32) -> (i32, i32) {
    %c0_i32 = arith.constant 0 : i32
    %c0_i32_0 = arith.constant 0 : i32
    return %arg0, %c0_i32 : i32, i32
  }
  func.func @transform_2(%arg0: i32) -> (i32, i32) {
    %c0_i32 = arith.constant 0 : i32
    %c0_i32_0 = arith.constant 0 : i32
    return %arg0, %c0_i32 : i32, i32
  }
}

module attributes {stable_mosaic.version = 14 : i64} {
  func.func @_d_body(%arg0: i32, %arg1: memref<512x4096xf32, #tpu.memory_space<vmem>>, %arg2: memref<512x32xi32, #tpu.memory_space<vmem>>, %arg3: memref<512x4096xf32, #tpu.memory_space<vmem>>, %arg4: memref<512x4096xi32, #tpu.memory_space<vmem>>, %arg5: memref<16x1x128xf32, #tpu.memory_space<vmem>>, %arg6: memref<16x1x128xi32, #tpu.memory_space<vmem>>, %arg7: memref<512x4096xf32, #tpu.memory_space<vmem>>) attributes {dimension_semantics = [#tpu.dimension_semantics<arbitrary>], iteration_bounds = array<i64: 1>, scalar_prefetch = 0 : i64, scratch_operands = 1 : i64, tpu.core_type = #tpu.core_type<tc>, window_params = [{transform_indices = @transform_0, window_bounds = array<i64: 512, 4096>}, {transform_indices = @transform_1, window_bounds = array<i64: 512, 32>}, {transform_indices = @transform_2, window_bounds = array<i64: 512, 4096>}, {transform_indices = @transform_3, window_bounds = array<i64: 512, 4096>}, {transform_indices = @transform_4, window_bounds = array<i64: 16, 1, 128>}, {transform_indices = @transform_5, window_bounds = array<i64: 16, 1, 128>}]} {
    %get3A = arith.constant 0 : index
    %get3A_0 = arith.constant 0 : index
    %get3A_1 = vector.load %arg1[%get3A, %get3A_0] : memref<512x4096xf32, #tpu.memory_space<vmem>>, vector<512x4096xf32>
    %swap3A = arith.constant 0 : index
    %swap3A_2 = arith.constant 0 : index
    %swap3A_3 = vector.load %arg7[%swap3A, %swap3A_2] : memref<512x4096xf32, #tpu.memory_space<vmem>>, vector<512x4096xf32>
    tpu.vector_store %arg7[%swap3A, %swap3A_2], %get3A_1 {strides = array<i32>} : memref<512x4096xf32, #tpu.memory_space<vmem>>, vector<512x4096xf32>,
    %get3A_4 = arith.constant 0 : index
    %get3A_5 = arith.constant 0 : index
    %get3A_6 = vector.load %arg2[%get3A_4, %get3A_5] : memref<512x32xi32, #tpu.memory_space<vmem>>, vector<512x32xi32>
    %iota3A = tpu.iota {dimensions = array<i32: 2>} : vector<512x32x128xi32>
    %broadcast_in_dim3A = vector.shape_cast %get3A_6 : vector<512x32xi32> to vector<512x32x1xi32>
    %mul3A = arith.constant 128 : i32
    %mul3A_7 = vector.broadcast %mul3A : i32 to vector<512x32x1xi32>
    %mul3A_8 = arith.muli %broadcast_in_dim3A, %mul3A_7 : vector<512x32x1xi32>
    %add3A = vector.broadcast %mul3A_8 : vector<512x32x1xi32> to vector<512x32x128xi32>
    %add3A_9 = arith.addi %add3A, %iota3A : vector<512x32x128xi32>
    %reshape3A = vector.shape_cast %add3A_9 : vector<512x32x128xi32> to vector<512x4096xi32>
    %broadcast_in_dim3A_10 = arith.constant 0.000000e+00 : f32
    %broadcast_in_dim3A_11 = vector.broadcast %broadcast_in_dim3A_10 : f32 to vector<512x1xf32>
    %broadcast_in_dim3A_12 = arith.constant 0 : i32
    %broadcast_in_dim3A_13 = vector.broadcast %broadcast_in_dim3A_12 : i32 to vector<512x1xi32>
    %scan3A = arith.constant 0 : i32
    %scan3A_14 = arith.constant 32 : i32
    %scan3A_15 = arith.addi %scan3A, %scan3A_14 : i32
    %scan3A_16 = arith.constant 1 : i32
    %scan3A_17:2 = scf.for %scan3A_57 = %scan3A to %scan3A_15 step %scan3A_16 iter_args(%scan3A_58 = %broadcast_in_dim3A_11, %scan3A_59 = %broadcast_in_dim3A_13) -> (vector<512x1xf32>, vector<512x1xi32>)  : i32 {
      %get3A_60 = arith.constant 0 : index
      %get3A_61 = arith.constant 0 : index
      %get3A_62 = vector.load %arg7[%get3A_60, %get3A_61] : memref<512x4096xf32, #tpu.memory_space<vmem>>, vector<512x4096xf32>
      %reduce_max3A_63 = arith.constant dense<0xFF800000> : vector<512xf32>
      %reduce_max3A_64 = vector.multi_reduction <maximumf>, %get3A_62, %reduce_max3A_63 [1] : vector<512x4096xf32> to vector<512xf32>
      %broadcast_in_dim3A_65 = vector.shape_cast %reduce_max3A_64 : vector<512xf32> to vector<512x1xf32>
      %eq3A_66 = vector.broadcast %broadcast_in_dim3A_65 : vector<512x1xf32> to vector<512x4096xf32>
      %eq3A_67 = arith.cmpf oeq, %get3A_62, %eq3A_66 : vector<512x4096xf32>
      %jit3A_68 = arith.constant 2147483647 : i32
      %broadcast_in_dim3A_69 = vector.broadcast %jit3A_68 : i32 to vector<512x4096xi32>
      %select_n3A_70 = arith.select %eq3A_67, %reshape3A, %broadcast_in_dim3A_69 : vector<512x4096xi1>, vector<512x4096xi32>
      %reduce_min3A = arith.constant dense<2147483647> : vector<512xi32>
      %reduce_min3A_71 = vector.multi_reduction <minsi>, %select_n3A_70, %reduce_min3A [1] : vector<512x4096xi32> to vector<512xi32>
      %broadcast_in_dim3A_72 = vector.shape_cast %reduce_min3A_71 : vector<512xi32> to vector<512x1xi32>
      %eq3A_73 = vector.broadcast %broadcast_in_dim3A_72 : vector<512x1xi32> to vector<512x4096xi32>
      %eq3A_74 = arith.cmpi eq, %reshape3A, %eq3A_73 : vector<512x4096xi32>
      %jit3A_75 = arith.constant 0xFF800000 : f32
      %broadcast_in_dim3A_76 = vector.broadcast %jit3A_75 : f32 to vector<512x4096xf32>
      %select_n3A_77 = arith.select %eq3A_74, %broadcast_in_dim3A_76, %get3A_62 : vector<512x4096xi1>, vector<512x4096xf32>
      %swap3A_78 = arith.constant 0 : index
      %swap3A_79 = arith.constant 0 : index
      %swap3A_80 = vector.load %arg7[%swap3A_78, %swap3A_79] : memref<512x4096xf32, #tpu.memory_space<vmem>>, vector<512x4096xf32>
      tpu.vector_store %arg7[%swap3A_78, %swap3A_79], %select_n3A_77 {strides = array<i32>} : memref<512x4096xf32, #tpu.memory_space<vmem>>, vector<512x4096xf32>,
      scf.yield %broadcast_in_dim3A_65, %broadcast_in_dim3A_72 : vector<512x1xf32>, vector<512x1xi32>
    }
    %get3A_18 = arith.constant 0 : index
    %get3A_19 = arith.constant 0 : index
    %get3A_20 = vector.load %arg3[%get3A_18, %get3A_19] : memref<512x4096xf32, #tpu.memory_space<vmem>>, vector<512x4096xf32>
    %get3A_21 = arith.constant 0 : index
    %get3A_22 = arith.constant 0 : index
    %get3A_23 = vector.load %arg4[%get3A_21, %get3A_22] : memref<512x4096xi32, #tpu.memory_space<vmem>>, vector<512x4096xi32>
    %gt3A = vector.broadcast %scan3A_17#0 : vector<512x1xf32> to vector<512x4096xf32>
    %gt3A_24 = arith.cmpf ogt, %get3A_20, %gt3A : vector<512x4096xf32>
    %eq3A = vector.broadcast %scan3A_17#0 : vector<512x1xf32> to vector<512x4096xf32>
    %eq3A_25 = arith.cmpf oeq, %get3A_20, %eq3A : vector<512x4096xf32>
    %le3A = vector.broadcast %scan3A_17#1 : vector<512x1xi32> to vector<512x4096xi32>
    %le3A_26 = arith.cmpi sle, %get3A_23, %le3A : vector<512x4096xi32>
    %and3A = arith.andi %eq3A_25, %le3A_26 : vector<512x4096xi1>
    %or3A = arith.ori %gt3A_24, %and3A : vector<512x4096xi1>
    %convert_element_type3A = arith.extui %or3A : vector<512x4096xi1> to vector<512x4096xi32>
    %reshape3A_27 = vector.shape_cast %convert_element_type3A : vector<512x4096xi32> to vector<16x32x4096xi32>
    %reduce_max3A = arith.constant dense<-2147483648> : vector<16x4096xi32>
    %reduce_max3A_28 = vector.multi_reduction <maxsi>, %reshape3A_27, %reduce_max3A [1] : vector<16x32x4096xi32> to vector<16x4096xi32>
    %reshape3A_29 = vector.shape_cast %get3A_20 : vector<512x4096xf32> to vector<16x32x4096xf32>
    %reduce_sum3A = arith.constant dense<0.000000e+00> : vector<16x4096xf32>
    %reduce_sum3A_30 = vector.multi_reduction <add>, %reshape3A_29, %reduce_sum3A [1] : vector<16x32x4096xf32> to vector<16x4096xf32>
    %gt3A_31 = arith.constant 0 : i32
    %gt3A_32 = vector.broadcast %gt3A_31 : i32 to vector<16x4096xi32>
    %gt3A_33 = arith.cmpi sgt, %reduce_max3A_28, %gt3A_32 : vector<16x4096xi32>
    %jit3A = arith.constant 0xFF800000 : f32
    %broadcast_in_dim3A_34 = vector.broadcast %jit3A : f32 to vector<16x4096xf32>
    %select_n3A = arith.select %gt3A_33, %reduce_sum3A_30, %broadcast_in_dim3A_34 : vector<16x4096xi1>, vector<16x4096xf32>
    %iota3A_35 = tpu.iota {dimensions = array<i32: 1>} : vector<16x4096xi32>
    %iota3A_36 = tpu.iota {dimensions = array<i32: 1>} : vector<16x128xi32>
    %broadcast_in_dim3A_37 = arith.constant 0.000000e+00 : f32
    %broadcast_in_dim3A_38 = vector.broadcast %broadcast_in_dim3A_37 : f32 to vector<16x128xf32>
    %broadcast_in_dim3A_39 = arith.constant 0 : i32
    %broadcast_in_dim3A_40 = vector.broadcast %broadcast_in_dim3A_39 : i32 to vector<16x128xi32>
    %scan3A_41 = arith.constant 0 : i32
    %scan3A_42 = arith.constant 10 : i32
    %scan3A_43 = arith.addi %scan3A_41, %scan3A_42 : i32
    %scan3A_44 = arith.constant 1 : i32
    %scan3A_45:3 = scf.for %scan3A_57 = %scan3A_41 to %scan3A_43 step %scan3A_44 iter_args(%scan3A_58 = %select_n3A, %scan3A_59 = %broadcast_in_dim3A_38, %scan3A_60 = %broadcast_in_dim3A_40) -> (vector<16x4096xf32>, vector<16x128xf32>, vector<16x128xi32>)  : i32 {
      %reduce_max3A_61 = arith.constant dense<0xFF800000> : vector<16xf32>
      %reduce_max3A_62 = vector.multi_reduction <maximumf>, %scan3A_58, %reduce_max3A_61 [1] : vector<16x4096xf32> to vector<16xf32>
      %broadcast_in_dim3A_63 = vector.shape_cast %reduce_max3A_62 : vector<16xf32> to vector<16x1xf32>
      %eq3A_64 = vector.broadcast %broadcast_in_dim3A_63 : vector<16x1xf32> to vector<16x4096xf32>
      %eq3A_65 = arith.cmpf oeq, %scan3A_58, %eq3A_64 : vector<16x4096xf32>
      %jit3A_66 = arith.constant 2147483647 : i32
      %broadcast_in_dim3A_67 = vector.broadcast %jit3A_66 : i32 to vector<16x4096xi32>
      %select_n3A_68 = arith.select %eq3A_65, %iota3A_35, %broadcast_in_dim3A_67 : vector<16x4096xi1>, vector<16x4096xi32>
      %reduce_min3A = arith.constant dense<2147483647> : vector<16xi32>
      %reduce_min3A_69 = vector.multi_reduction <minsi>, %select_n3A_68, %reduce_min3A [1] : vector<16x4096xi32> to vector<16xi32>
      %broadcast_in_dim3A_70 = vector.shape_cast %reduce_min3A_69 : vector<16xi32> to vector<16x1xi32>
      %eq3A_71 = vector.broadcast %scan3A_57 : i32 to vector<16x128xi32>
      %eq3A_72 = arith.cmpi eq, %iota3A_36, %eq3A_71 : vector<16x128xi32>
      %broadcast_in_dim3A_73 = vector.shape_cast %broadcast_in_dim3A_63 : vector<16x1xf32> to vector<16x1xf32>
      %broadcast_in_dim3A_74 = vector.broadcast %broadcast_in_dim3A_73 : vector<16x1xf32> to vector<16x128xf32>
      %select_n3A_75 = arith.select %eq3A_72, %broadcast_in_dim3A_74, %scan3A_59 : vector<16x128xi1>, vector<16x128xf32>
      %eq3A_76 = vector.broadcast %scan3A_57 : i32 to vector<16x128xi32>
      %eq3A_77 = arith.cmpi eq, %iota3A_36, %eq3A_76 : vector<16x128xi32>
      %eq3A_78 = arith.constant 0xFF800000 : f32
      %eq3A_79 = vector.broadcast %eq3A_78 : f32 to vector<16x1xf32>
      %eq3A_80 = arith.cmpf oeq, %broadcast_in_dim3A_63, %eq3A_79 : vector<16x1xf32>
      %jit3A_81 = arith.constant -1 : i32
      %broadcast_in_dim3A_82 = vector.broadcast %jit3A_81 : i32 to vector<16x1xi32>
      %select_n3A_83 = arith.select %eq3A_80, %broadcast_in_dim3A_82, %broadcast_in_dim3A_70 : vector<16x1xi1>, vector<16x1xi32>
      %broadcast_in_dim3A_84 = vector.shape_cast %select_n3A_83 : vector<16x1xi32> to vector<16x1xi32>
      %broadcast_in_dim3A_85 = vector.broadcast %broadcast_in_dim3A_84 : vector<16x1xi32> to vector<16x128xi32>
      %select_n3A_86 = arith.select %eq3A_77, %broadcast_in_dim3A_85, %scan3A_60 : vector<16x128xi1>, vector<16x128xi32>
      %eq3A_87 = vector.broadcast %broadcast_in_dim3A_70 : vector<16x1xi32> to vector<16x4096xi32>
      %eq3A_88 = arith.cmpi eq, %iota3A_35, %eq3A_87 : vector<16x4096xi32>
      %jit3A_89 = arith.constant 0xFF800000 : f32
      %broadcast_in_dim3A_90 = vector.broadcast %jit3A_89 : f32 to vector<16x4096xf32>
      %select_n3A_91 = arith.select %eq3A_88, %broadcast_in_dim3A_90, %scan3A_58 : vector<16x4096xi1>, vector<16x4096xf32>
      scf.yield %select_n3A_91, %select_n3A_75, %select_n3A_86 : vector<16x4096xf32>, vector<16x128xf32>, vector<16x128xi32>
    }
    %scan3A_46 = arith.constant 10 : i32
    %reshape3A_47 = vector.shape_cast %scan3A_45#1 : vector<16x128xf32> to vector<16x1x128xf32>
    %swap3A_48 = arith.constant 0 : index
    %swap3A_49 = arith.constant 0 : index
    %swap3A_50 = arith.constant 0 : index
    %swap3A_51 = vector.load %arg5[%swap3A_48, %swap3A_49, %swap3A_50] : memref<16x1x128xf32, #tpu.memory_space<vmem>>, vector<16x1x128xf32>
    tpu.vector_store %arg5[%swap3A_48, %swap3A_49, %swap3A_50], %reshape3A_47 {strides = array<i32>} : memref<16x1x128xf32, #tpu.memory_space<vmem>>, vector<16x1x128xf32>,
    %reshape3A_52 = vector.shape_cast %scan3A_45#2 : vector<16x128xi32> to vector<16x1x128xi32>
    %swap3A_53 = arith.constant 0 : index
    %swap3A_54 = arith.constant 0 : index
    %swap3A_55 = arith.constant 0 : index
    %swap3A_56 = vector.load %arg6[%swap3A_53, %swap3A_54, %swap3A_55] : memref<16x1x128xi32, #tpu.memory_space<vmem>>, vector<16x1x128xi32>
    tpu.vector_store %arg6[%swap3A_53, %swap3A_54, %swap3A_55], %reshape3A_52 {strides = array<i32>} : memref<16x1x128xi32, #tpu.memory_space<vmem>>, vector<16x1x128xi32>,
    return
  }
  func.func @transform_0(%arg0: i32) -> (i32, i32) {
    %c0_i32 = arith.constant 0 : i32
    %c0_i32_0 = arith.constant 0 : i32
    return %arg0, %c0_i32 : i32, i32
  }
  func.func @transform_1(%arg0: i32) -> (i32, i32) {
    %c0_i32 = arith.constant 0 : i32
    %c0_i32_0 = arith.constant 0 : i32
    return %arg0, %c0_i32 : i32, i32
  }
  func.func @transform_2(%arg0: i32) -> (i32, i32) {
    %c0_i32 = arith.constant 0 : i32
    %c0_i32_0 = arith.constant 0 : i32
    return %arg0, %c0_i32 : i32, i32
  }
  func.func @transform_3(%arg0: i32) -> (i32, i32) {
    %c0_i32 = arith.constant 0 : i32
    %c0_i32_0 = arith.constant 0 : i32
    return %arg0, %c0_i32 : i32, i32
  }
  func.func @transform_4(%arg0: i32) -> (i32, i32, i32) {
    %c0_i32 = arith.constant 0 : i32
    %c0_i32_0 = arith.constant 0 : i32
    %c0_i32_1 = arith.constant 0 : i32
    return %arg0, %c0_i32, %c0_i32_0 : i32, i32, i32
  }
  func.func @transform_5(%arg0: i32) -> (i32, i32, i32) {
    %c0_i32 = arith.constant 0 : i32
    %c0_i32_0 = arith.constant 0 : i32
    %c0_i32_1 = arith.constant 0 : i32
    return %arg0, %c0_i32, %c0_i32_0 : i32, i32, i32
  }
}

</mosaic_0001>

<sc_bundles>
// kernel: kernel.6.cloned.1.call-start
scs
__scs_entry_jumppad:
0x0: {  	(pc) =	sbr.rel $0x88, $3  }
0x1: {  	(tag) =	ssettag $0x0;
	lr =	simm.s32 $0x1  }
0x2: {  	[smem:$0x3F9F] =	sst lr;
	_ =	strace $0xD0000000  }
0x3: {  	_ = 	snop  }
0x4: {  	_ = 	snop  }
0x5: {  	_ = 	snop  }
0x6: {  	_ = 	snop  }
0x7: {  	_ = 	snop  }
__scs_overlays_trampoline_lowered:
0x8: {  	[smem:$0x3FAE] =	sst s0  }
0x9: {  	[smem:$0x3FAF] =	sst s1  }
0xa: {  	[smem:$0x3FB0] =	sst s2  }
0xb: {  	[smem:$0x3FB1] =	sst s3  }
0xc: {  	[smem:$0x3FB2] =	sst s4  }
0xd: {  	[smem:$0x3FB3] =	sst s5  }
0xe: {  	[smem:$0x3FB4] =	sst s6  }
0xf: {  	[smem:$0x3FB5] =	sst s7  }
0x10: {  	[smem:$0x3FB6] =	sst s8  }
0x11: {  	[smem:$0x3FB7] =	sst s9;
	s0 =	simm.s32 @!p0 $0x0  }
0x12: {  	s1 =	sld [smem:$0x3F9D];
	s0 =	simm.s32 @p0 $0x1  }
0x13: {  	[smem:$0x3FB8] =	sst s0;
	s0 =	simm.s32 @!p1 $0x0  }
0x14: {  	s2 =	sld [smem:$0x3F9C];
	s0 =	simm.s32 @p1 $0x1  }
0x15: {  	[smem:$0x3FB9] =	sst s0;
	s0 =	simm.s32 @!p2 $0x0  }
0x16: {  	s3 =	sld [smem:$0x3FDB];
	s0 =	simm.s32 @p2 $0x1  }
0x17: {  	s4 =	simm.s32 $0x1BF5;
	[smem:$0x3FBB] =	sst s0  }
0x18: {  	s0 =	sld [smem:$0x3F9E];
	_ =	swait.ge [sflag:s4], $0x0  }
0x19: {  	s7 =	sld [smem:$0x3F9F]  }
0x1a: {  	s8 =	sadd.s32 $0xFFFFE003, lr  }
0x1b: {  	s9 =	sadd.s32 $0xFFFFFEF7, lr;
	s5 =	simm.s32 $0xFFFFFFFF;
	p2 =	slt.u32 s8, $0xFFFFF086  }
0x1c: {  	p1 =	slt.u32 s9, $0xF7A;
	s5 =	simm.s32 @!p2 $0x0  }
0x1d: {  	s5 =	simm.s32 @p1 $0x1;
	p0 =	seq.s32 s7, s2  }
0x1e: {  	s7 =	smul.u32 @!p0 $0xF7A, s2;
	p2 =	seq.s32 @!p0 s5, $0x0  }
0x1f: {  	s9 =	smul.u32 $0xF7A, s1;
	s8 =	simm.s32 @!p0 $0x1BF5;
	p2 =	por !p2, p0  }
0x20: {  	[sflag:s8] =	ssyncset.s32 @!p0 $0xFFFFF086;
	s6 =	sadd.s32 @!p0 s3, s7;
	s7 =	simm.s32 @!p0 $0x108  }
0x21: {  	s3 =	sadd.s32 s3, s9;
	s6 =	sadd.s32 @!p0 $0x88, s6;
	s7 =	simm.s32 @p2 $0x1082  }
0x22: {  	[simem:s7], [sflag:s8] =	dma.local @!p0 [hbm:s6], $0xF7A  }
0x23: {  	s9 =	sor.u32 $0xD0000000, s2;
	s6 =	simm.s32 $0x108;
	_ =	swait.ge @!p0 [sflag:s8], $0x0  }
0x24: {  	s3 =	sadd.s32 $0x88, s3;
	s6 =	simm.s32 @!p1 $0x1082;
	[sflag:s4] =	ssyncset.s32 $0xFFFFF086  }
0x25: {  	[simem:s6], [sflag:s4] =	dma.local [hbm:s3], $0xF7A  }
0x26: {  	[smem:$0x3F9F] =	sst s1;
	(tag) =	ssettag s2;
	_ =	strace s9  }
0x27: {  	s1 =	sld [smem:$0x3FAF]  }
0x28: {  	s2 =	sld [smem:$0x3FB0]  }
0x29: {  	s4 =	sld [smem:$0x3FB2]  }
0x2a: {  	p0 =	seq.s32 s5, $0x0;
	s5 =	sld [smem:$0x3FB3]  }
0x2b: {  	s6 =	sld [smem:$0x3FB4]  }
0x2c: {  	s7 =	sld [smem:$0x3FB5]  }
0x2d: {  	s3 =	simm.s32 $0x108;
	s8 =	sld [smem:$0x3FB6]  }
0x2e: {  	s3 =	simm.s32 @!p0 $0x1082;
	s9 =	sld [smem:$0x3FB7]  }
0x2f: {  	lr =	sadd.s32 s0, s3;
	s0 =	sld [smem:$0x3FAE]  }
0x30: {  	s3 =	sld [smem:$0x3FB1]  }
0x31: {  	[smem:$0x3FBA] =	sst s10  }
0x32: {  	s10 =	sld [smem:$0x3FB8];
	_ =	sdelay $0x3  }
0x33: {  	p0 =	seq.s32 s10, $0x1;
	s10 =	sld [smem:$0x3FBA];
	_ =	sdelay $0x3  }
0x34: {  	[smem:$0x3FBA] =	sst s10  }
0x35: {  	s10 =	sld [smem:$0x3FB9];
	_ =	sdelay $0x3  }
0x36: {  	p1 =	seq.s32 s10, $0x1;
	s10 =	sld [smem:$0x3FBA];
	_ =	sdelay $0x3  }
0x37: {  	[smem:$0x3FBA] =	sst s10  }
0x38: {  	s10 =	sld [smem:$0x3FBB]  }
0x39: {  	_ = 	snop;
	(pc) =	sbr.ind lr, $3  }
0x3a: {  	_ = 	snop  }
0x3b: {  	_ = 	snop  }
0x3c: {  	p2 =	seq.s32 s10, $0x1;
	s10 =	sld [smem:$0x3FBA]  }
0x3d: {  	_ =	shalt  }
0x3e: {  	_ =	shalt  }
0x3f: {  	_ =	shalt  }
0x40: {  	_ =	shalt  }
0x41: {  	_ =	shalt  }
0x42: {  	_ =	shalt  }
0x43: {  	_ =	shalt  }
0x44: {  	_ =	shalt  }
0x45: {  	_ =	shalt  }
0x46: {  	_ =	shalt  }
0x47: {  	_ =	shalt  }
0x48: {  	_ =	shalt  }
0x49: {  	_ =	shalt  }
0x4a: {  	_ =	shalt  }
0x4b: {  	_ =	shalt  }
0x4c: {  	_ =	shalt  }
0x4d: {  	_ =	shalt  }
0x4e: {  	_ =	shalt  }
0x4f: {  	_ =	shalt  }
0x50: {  	_ =	shalt  }
0x51: {  	_ =	shalt  }
0x52: {  	_ =	shalt  }
0x53: {  	_ =	shalt  }
0x54: {  	_ =	shalt  }
0x55: {  	_ =	shalt  }
0x56: {  	_ =	shalt  }
0x57: {  	_ =	shalt  }
0x58: {  	_ =	shalt  }
0x59: {  	_ =	shalt  }
0x5a: {  	_ =	shalt  }
0x5b: {  	_ =	shalt  }
0x5c: {  	_ =	shalt  }
0x5d: {  	_ =	shalt  }
0x5e: {  	_ =	shalt  }
0x5f: {  	_ =	shalt  }
0x60: {  	_ =	shalt  }
0x61: {  	_ =	shalt  }
0x62: {  	_ =	shalt  }
0x63: {  	_ =	shalt  }
0x64: {  	_ =	shalt  }
0x65: {  	_ =	shalt  }
0x66: {  	_ =	shalt  }
0x67: {  	_ =	shalt  }
0x68: {  	_ =	shalt  }
0x69: {  	_ =	shalt  }
0x6a: {  	_ =	shalt  }
0x6b: {  	_ =	shalt  }
0x6c: {  	_ =	shalt  }
0x6d: {  	_ =	shalt  }
0x6e: {  	_ =	shalt  }
0x6f: {  	_ =	shalt  }
0x70: {  	_ =	shalt  }
0x71: {  	_ =	shalt  }
0x72: {  	_ =	shalt  }
0x73: {  	_ =	shalt  }
0x74: {  	_ =	shalt  }
0x75: {  	_ =	shalt  }
0x76: {  	_ =	shalt  }
0x77: {  	_ =	shalt  }
0x78: {  	_ =	shalt  }
0x79: {  	_ =	shalt  }
0x7a: {  	_ =	shalt  }
0x7b: {  	_ =	shalt  }
0x7c: {  	_ =	shalt  }
0x7d: {  	_ =	shalt  }
0x7e: {  	_ =	shalt  }
0x7f: {  	_ =	shalt  }
0x80: {  	_ =	shalt  }
0x81: {  	_ =	shalt  }
0x82: {  	_ =	shalt  }
0x83: {  	_ =	shalt  }
0x84: {  	_ =	shalt  }
0x85: {  	_ =	shalt  }
0x86: {  	_ =	shalt  }
0x87: {  	_ =	shalt  }
.Lfunc_end0:
.L_simem_size_0:
called_computation_lowered:
.L_overlay_start_0:
0x88: {  	s2 =	sld [smem:$0x3FD9]  }
0x89: {  	s3 =	sld [smem:$0x3FFE];
	_ =	sdelay $0x1  }
0x8a: {  	s1 =	srdreg.scid  }
0x8b: {  	s0 =	sand.u32 $0x1, s1  }
0x8c: {  	s16 =	sshll.u32 s0, $0xA;
	s2 =	sadd.s32 s3, s2  }
0x8d: {  	s2 =	sadd.s32 s2, s16  }
0x8e: {  	[smem:$0x3FC6] =	sst s2  }
0x8f: {  	_ = 	snop  }
0x90: {  	(tm) =	ssettm $0x1  }
0x91: {  	s17 =	sld [smem:$0x3FFB];
	_ =	sdelay $0x3  }
0x92: {  	_ =	strace s17  }
0x93: {  	s2 =	sld [smem:$0x3FFC];
	_ =	sdelay $0x3  }
0x94: {  	_ =	strace s2  }
0x95: {  	s2 =	sld [smem:$0x3FFD];
	_ =	sdelay $0x3  }
0x96: {  	_ =	strace s2  }
0x97: {  	_ =	strace $0x8FFFFFFF  }
0x98: {  	s18 =	sld [smem:$0x3FDB];
	_ =	sdelay $0x1  }
0x99: {  	s19 =	simm.s32 $_scs_section_size  }
0x9a: {  	s4 =	simm.s32 $_size__tile_overlayer_lowered;
	s5 =	simm.s32 $_tile_overlayer_lowered  }
0x9b: {  	s22 =	simm.s32 $0x1BFF;
	s21 =	sshll.u32 s5, $0x1;
	s2 =	sadd.s32 s19, s18  }
0x9c: {  	s6 =	simm.s32 $0x0;
	s20 =	sshll.u32 s4, $0x1;
	s4 =	sadd.s32 s21, s2  }
0x9d: {  	[timem:s6], [sflag:s22] =	dma.local [hbm:s4], s20  }
0x9e: {  	_ =	swait.ge [sflag:s22], s20  }
0x9f: {  	s3 =	ssub.s32 $0x0, s20;
	[sflag:s22] =	ssyncset.done $0x0  }
0xa0: {  	[sflag:s22] =	ssyncadd.s32 s3;
	_ =	sdelay $0x1  }
0xa1: {  	s23 =	simm.s32 $0x1B8B  }
0xa2: {  	_ =	swait.ge [sflag:s23], $0x1  }
0xa3: {  	[sflag:s23] =	ssyncset.done $0x0  }
0xa4: {  	s25 =	simm.s32 $0x1B8E;
	s24 =	sld [smem:$0x3FFE];
	[sflag:s23] =	ssyncadd.s32 $0xFFFFFFFF  }
0xa5: {  	s26 =	simm.s32 $execute0_lowered;
	[smem:$0x3FD2] =	sst s25  }
0xa6: {  	s4 =	sshll.u32 s26, $0x1;
	_ =	strace $0x80000046;
	[dreg:$0x1] =	wrdreg $0xFFFFFFFF  }
0xa7: {  	s28 =	simm.s32 $_size_execute0_lowered;
	s2 =	sadd.s32 s2, s4;
	[dreg:$0x0] =	wrdreg $0x0  }
0xa8: {  	s4 =	sshll.u32 s28, $0x1;
	[dreg:$0x2] =	wrdreg s2  }
0xa9: {  	[dreg:$0x3] =	wrdreg s4  }
0xaa: {  	[dreg:$0x4] =	wrdreg $0xC0  }
0xab: {  	_ =	task [dreg:s6], $0x5FFFF  }
0xac: {  	[dreg:$0x1] =	wrdreg $0xFFFFFFFF  }
0xad: {  	[dreg:$0x0] =	wrdreg $0x60  }
0xae: {  	[dreg:$0x2] =	wrdreg s24  }
0xaf: {  	[dreg:$0x3] =	wrdreg $0x9  }
0xb0: {  	_ =	task.clear_ibuf [dreg:s6], $0x4FFFF;
	_ =	strace $0x90000046  }
0xb1: {  	s29 =	simm.s32 $0x9;
	_ =	strace $0x80000048  }
0xb2: {  	_ =	swait.ge [sflag:s29], $0x1  }
0xb3: {  	[sflag:s29] =	ssyncadd.s32 $0xFFFFFFFF  }
0xb4: {  	_ =	strace $0x90000048  }
0xb5: {  	_ =	sfence  }
0xb6: {  	s30 =	sld [smem:$0x0];
	_ =	sdelay $0x2  }
0xb7: {  	s31 =	sshll.u32 s1, $0xD;
	s1 =	sshrl.u32 s1, $0x2  }
0xb8: {  	s3 =	sand.u32 $0x4000, s31;
	s1 =	sadd.s32 s1, s30  }
0xb9: {  	s0 =	sor.u32 s3, s0;
	s1 =	sshll.u32 s1, $0x11  }
0xba: {  	s0 =	sor.u32 s1, s0  }
0xbb: {  	s0 =	sadd.s32 $0x8F2B, s0  }
0xbc: {  	[sflag:s0] =	ssyncadd.remote.s32 $0x1  }
0xbd: {  	_ =	sfence.sel $0xFFFF  }
0xbe: {  	[dreg:$0x0] =	wrdreg $0xFFFFFFFF;
	(pc) =	sbr.abs _section_cstart, $3  }
0xbf: {  	[dreg:$0x1] =	wrdreg $0xFFFFFFFF  }
0xc0: {  	_ =	task.clear_ibuf [dreg:s6], $0x2FFFF;
	_ =	strace $0x9FFFFFFF  }
0xc1: {  	(tm) =	ssettm $0x7FFFFFFF  }
tec
execute0_lowered:
.L_overlay_start_1:
0x0: {  	(tag) =	ssettag $0x1  }
0x1: {  	s1 =	srdreg.scid  }
0x2: {  	s0 =	stileid.u32;
	s20 =	sand.u32 $0x1, s1  }
0x3: {  	s17 =	rddreg [dreg:$0x0];
	s3 =	sshll.u32 s0, $0xA;
	s4 =	sshll.u32 s20, $0x9  }
0x4: {  	s2 =	simm.s32 $0x0;
	s1 =	rddreg [dreg:$0x1];
	s18 =	sor.u32 s4, s3  }
0x5: {  	[smem:$0x7FF] =	sst s2;
	s9 =	sadd.s32 $0x883600, s17;
	s3 =	sshrl.u32 s18, $0x3  }
0x6: {  	_ =	strace $0x80000047;
	s4 =	sadd.s32 s9, s3;
	s3 =	simm.s32 $0x2  }
0x7: {  	[tilespmem:s2], [sflag:$0x2] =	stream.linear.gather [hbm4b:s4+s2], $0x80, $0x38;
	[tilespmem:$0x10200] =	vst v63  }
0x8: {  	s19 =	sor.u32 $0x80, s18;
	_ =	swait.ge [sflag:s3], $0x80  }
0x9: {  	s5 =	sshrl.u32 s19, $0x3;
	[sflag:s3] =	ssyncset.done $0x0  }
0xa: {  	s6 =	simm.s32 $0x80;
	s5 =	sadd.s32 s9, s5;
	[sflag:s3] =	ssyncadd.s32 $0xFFFFFF80  }
0xb: {  	[tilespmem:s6], [sflag:$0x2] =	stream.linear.gather [hbm4b:s5+s2], $0x80, $0x38;
	[tilespmem:$0x10200] =	vst v63  }
0xc: {  	s21 =	sor.u32 $0x100, s18;
	_ =	swait.ge [sflag:s3], $0x80  }
0xd: {  	s7 =	sshrl.u32 s21, $0x3;
	[sflag:s3] =	ssyncset.done $0x0  }
0xe: {  	s8 =	simm.s32 $0x100;
	s7 =	sadd.s32 s9, s7;
	[sflag:s3] =	ssyncadd.s32 $0xFFFFFF80  }
0xf: {  	[tilespmem:s8], [sflag:$0x2] =	stream.linear.gather [hbm4b:s7+s2], $0x80, $0x38;
	[tilespmem:$0x10200] =	vst v63  }
0x10: {  	s22 =	sor.u32 $0x180, s18;
	_ =	swait.ge [sflag:s3], $0x80  }
0x11: {  	s10 =	sshrl.u32 s22, $0x3;
	[sflag:s3] =	ssyncset.done $0x0  }
0x12: {  	s9 =	sadd.s32 s9, s10;
	s10 =	simm.s32 $0x180;
	[sflag:s3] =	ssyncadd.s32 $0xFFFFFF80  }
0x13: {  	[tilespmem:s10], [sflag:$0x2] =	stream.linear.gather [hbm4b:s9+s2], $0x80, $0x38;
	[tilespmem:$0x10200] =	vst v63  }
0x14: {  	_ =	swait.ge [sflag:s3], $0x80  }
0x15: {  	[sflag:s3] =	ssyncset.done $0x0  }
0x16: {  	s12 =	simm.s32 $0x200;
	s11 =	sadd.s32 $0x1600, s17;
	[sflag:s3] =	ssyncadd.s32 $0xFFFFFF80  }
0x17: {  	[tilespmem:s12], [sflag:$0x1] =	stream.indirect.gather [hbm4b:s11+s6], $0x80, s2, s6, $0xb8;
	[tilespmem:$0x10200] =	vst v63  }
0x18: {  	s13 =	simm.s32 $0x4200  }
0x19: {  	[tilespmem:s13], [sflag:$0x1] =	stream.indirect.gather [hbm4b:s11+s6], $0x80, s6, s6, $0xb8;
	[tilespmem:$0x10200] =	vst v63  }
0x1a: {  	s14 =	simm.s32 $0x8200  }
0x1b: {  	[tilespmem:s14], [sflag:$0x1] =	stream.indirect.gather [hbm4b:s11+s6], $0x80, s8, s6, $0xb8;
	[tilespmem:$0x10200] =	vst v63  }
0x1c: {  	s15 =	simm.s32 $0xC200;
	s16 =	simm.s32 $0x1  }
0x1d: {  	[tilespmem:s15], [sflag:$0x1] =	stream.indirect.gather [hbm4b:s11+s6], $0x80, s10, s6, $0xb8;
	[tilespmem:$0x10200] =	vst v63  }
0x1e: {  	_ =	swait.ge [sflag:s16], $0x4000  }
0x1f: {  	s23 =	sadd.s32 $0x883E00, s17;
	s26 =	sshll.u32 s18, $0x4;
	[sflag:s16] =	ssyncset.done $0x0  }
0x20: {  	s17 =	sadd.s32 s23, s26;
	[sflag:s16] =	ssyncadd.s32 $0xFFFFC000  }
0x21: {  	[hbm4b:s17+s2] =	stream.linear.scatter [tilespmem:s12], [sflag:$0x2], $0x4000, $0x38;
	[tilespmem:$0x10200] =	vst v63  }
0x22: {  	_ =	swait.ge [sflag:s3], $0x4000  }
0x23: {  	[sflag:s3] =	ssyncset.done $0x0  }
0x24: {  	[sflag:s3] =	ssyncadd.s32 $0xFFFFC000  }
0x25: {  	_ =	swait.ge [sflag:s16], $0x4000  }
0x26: {  	s28 =	sshll.u32 s19, $0x4;
	[sflag:s16] =	ssyncset.done $0x0  }
0x27: {  	s18 =	sadd.s32 s23, s28;
	[sflag:s16] =	ssyncadd.s32 $0xFFFFC000  }
0x28: {  	[hbm4b:s18+s2] =	stream.linear.scatter [tilespmem:s13], [sflag:$0x2], $0x4000, $0x38;
	[tilespmem:$0x10200] =	vst v63  }
0x29: {  	_ =	swait.ge [sflag:s3], $0x4000  }
0x2a: {  	[sflag:s3] =	ssyncset.done $0x0  }
0x2b: {  	[sflag:s3] =	ssyncadd.s32 $0xFFFFC000  }
0x2c: {  	_ =	swait.ge [sflag:s16], $0x4000  }
0x2d: {  	s29 =	sshll.u32 s21, $0x4;
	[sflag:s16] =	ssyncset.done $0x0  }
0x2e: {  	s20 =	ssub.s32 $0x2, s20;
	s19 =	sadd.s32 s23, s29;
	[sflag:s16] =	ssyncadd.s32 $0xFFFFC000  }
0x2f: {  	[hbm4b:s19+s2] =	stream.linear.scatter [tilespmem:s14], [sflag:$0x2], $0x4000, $0x38;
	[tilespmem:$0x10200] =	vst v63  }
0x30: {  	s30 =	sshrl.u32 s20, $0x1;
	_ =	swait.ge [sflag:s3], $0x4000  }
0x31: {  	s21 =	ssub.s32 s20, s30;
	[sflag:s3] =	ssyncset.done $0x0  }
0x32: {  	s21 =	smax.u32 s21, $0x1;
	[sflag:s3] =	ssyncadd.s32 $0xFFFFC000  }
0x33: {  	p0 =	sne.s32 s21, $0x1;
	_ =	swait.ge [sflag:s16], $0x4000  }
.Ltmp0:
0x34: {  	s31 =	sshll.u32 s22, $0x4;
	[sflag:s16] =	ssyncset.done $0x0;
	(pc) =	sbr.rel @!p0 .LBB2_2-.Ltmp0, $4  }
0x35: {  	s20 =	sadd.s32 s23, s31;
	[sflag:s16] =	ssyncadd.s32 $0xFFFFC000  }
0x36: {  	[hbm4b:s20+s2] =	stream.linear.scatter [tilespmem:s15], [sflag:$0x2], $0x4000, $0x38;
	[tilespmem:$0x10200] =	vst v63  }
0x37: {  	_ =	swait.ge [sflag:s3], $0x4000  }
0x38: {  	s21 =	sadd.s32 $0xFFFFFFFF, s21;
	[sflag:s3] =	ssyncset.done $0x0  }
.LBB2_1:
0x39: {  	p0 =	sne.s32 s21, $0x1;
	s21 =	sadd.s32 $0xFFFFFFFF, s21;
	[sflag:s3] =	ssyncadd.s32 $0xFFFFC000  }
0x3a: {  	[tilespmem:s2], [sflag:$0x2] =	stream.linear.gather [hbm4b:s4+s2], $0x80, $0x38;
	[tilespmem:$0x10200] =	vst v63  }
0x3b: {  	_ =	swait.ge [sflag:s3], $0x80  }
0x3c: {  	[sflag:s3] =	ssyncset.done $0x0  }
0x3d: {  	[sflag:s3] =	ssyncadd.s32 $0xFFFFFF80  }
0x3e: {  	[tilespmem:s6], [sflag:$0x2] =	stream.linear.gather [hbm4b:s5+s2], $0x80, $0x38;
	[tilespmem:$0x10200] =	vst v63  }
0x3f: {  	_ =	swait.ge [sflag:s3], $0x80  }
0x40: {  	[sflag:s3] =	ssyncset.done $0x0  }
0x41: {  	[sflag:s3] =	ssyncadd.s32 $0xFFFFFF80  }
0x42: {  	[tilespmem:s8], [sflag:$0x2] =	stream.linear.gather [hbm4b:s7+s2], $0x80, $0x38;
	[tilespmem:$0x10200] =	vst v63  }
0x43: {  	_ =	swait.ge [sflag:s3], $0x80  }
0x44: {  	[sflag:s3] =	ssyncset.done $0x0  }
0x45: {  	[sflag:s3] =	ssyncadd.s32 $0xFFFFFF80  }
0x46: {  	[tilespmem:s10], [sflag:$0x2] =	stream.linear.gather [hbm4b:s9+s2], $0x80, $0x38;
	[tilespmem:$0x10200] =	vst v63  }
0x47: {  	_ =	swait.ge [sflag:s3], $0x80  }
0x48: {  	[sflag:s3] =	ssyncset.done $0x0  }
0x49: {  	[sflag:s3] =	ssyncadd.s32 $0xFFFFFF80  }
0x4a: {  	[tilespmem:s12], [sflag:$0x1] =	stream.indirect.gather [hbm4b:s11+s6], $0x80, s2, s6, $0xb8;
	[tilespmem:$0x10200] =	vst v63  }
0x4b: {  	_ = 	snop  }
0x4c: {  	[tilespmem:s13], [sflag:$0x1] =	stream.indirect.gather [hbm4b:s11+s6], $0x80, s6, s6, $0xb8;
	[tilespmem:$0x10200] =	vst v63  }
0x4d: {  	_ = 	snop  }
0x4e: {  	[tilespmem:s14], [sflag:$0x1] =	stream.indirect.gather [hbm4b:s11+s6], $0x80, s8, s6, $0xb8;
	[tilespmem:$0x10200] =	vst v63  }
0x4f: {  	_ = 	snop  }
0x50: {  	[tilespmem:s15], [sflag:$0x1] =	stream.indirect.gather [hbm4b:s11+s6], $0x80, s10, s6, $0xb8;
	[tilespmem:$0x10200] =	vst v63  }
0x51: {  	_ =	swait.ge [sflag:s16], $0x4000  }
0x52: {  	[sflag:s16] =	ssyncset.done $0x0  }
0x53: {  	[sflag:s16] =	ssyncadd.s32 $0xFFFFC000  }
0x54: {  	[hbm4b:s17+s2] =	stream.linear.scatter [tilespmem:s12], [sflag:$0x2], $0x4000, $0x38;
	[tilespmem:$0x10200] =	vst v63  }
0x55: {  	_ =	swait.ge [sflag:s3], $0x4000  }
0x56: {  	[sflag:s3] =	ssyncset.done $0x0  }
0x57: {  	[sflag:s3] =	ssyncadd.s32 $0xFFFFC000  }
0x58: {  	_ =	swait.ge [sflag:s16], $0x4000  }
0x59: {  	[sflag:s16] =	ssyncset.done $0x0  }
0x5a: {  	[sflag:s16] =	ssyncadd.s32 $0xFFFFC000  }
0x5b: {  	[hbm4b:s18+s2] =	stream.linear.scatter [tilespmem:s13], [sflag:$0x2], $0x4000, $0x38;
	[tilespmem:$0x10200] =	vst v63  }
0x5c: {  	_ =	swait.ge [sflag:s3], $0x4000  }
0x5d: {  	[sflag:s3] =	ssyncset.done $0x0  }
0x5e: {  	[sflag:s3] =	ssyncadd.s32 $0xFFFFC000  }
0x5f: {  	_ =	swait.ge [sflag:s16], $0x4000  }
0x60: {  	[sflag:s16] =	ssyncset.done $0x0  }
0x61: {  	[sflag:s16] =	ssyncadd.s32 $0xFFFFC000  }
0x62: {  	[hbm4b:s19+s2] =	stream.linear.scatter [tilespmem:s14], [sflag:$0x2], $0x4000, $0x38;
	[tilespmem:$0x10200] =	vst v63  }
0x63: {  	_ =	swait.ge [sflag:s3], $0x4000  }
0x64: {  	[sflag:s3] =	ssyncset.done $0x0  }
0x65: {  	[sflag:s3] =	ssyncadd.s32 $0xFFFFC000  }
0x66: {  	_ =	swait.ge [sflag:s16], $0x4000  }
.Ltmp1:
0x67: {  	[sflag:s16] =	ssyncset.done $0x0;
	(pc) =	sbr.rel @p0 .LBB2_1-.Ltmp1, $4  }
0x68: {  	[sflag:s16] =	ssyncadd.s32 $0xFFFFC000  }
0x69: {  	[hbm4b:s20+s2] =	stream.linear.scatter [tilespmem:s15], [sflag:$0x2], $0x4000, $0x38;
	[tilespmem:$0x10200] =	vst v63  }
0x6a: {  	_ =	swait.ge [sflag:s3], $0x4000  }
0x6b: {  	[sflag:s3] =	ssyncset.done $0x0  }
.LBB2_2:
0x6c: {  	[sflag:s3] =	ssyncadd.s32 $0xFFFFC000  }
0x6d: {  	_ =	sfence.sel $0x180000  }
0x6e: {  	[bflag:$0x0] =	sbarrier.arrive $0xFFFF  }
0x6f: {  	p0 =	sne.s32 s0, $0x0;
	_ =	strace $0x90000047  }
0x70: {  	s0 =	sadd.s32 @!p0 $0x100000, s1;
	[bflag:$0x2] =	sbarrier.arrive $0xFFFF  }
0x71: {  	[sflag:s0] =	ssyncadd.tile.s32 @!p0 $0x1;
	_ =	shalt  }
.Lfunc_end2:
_tile_overlayer_lowered:
.L_overlay_start_2:
0x72: {  	(tag) =	ssettag $0x2  }
0x73: {  	s0 =	rddreg [dreg:$0x0];
	s2 =	stileid.u32  }
0x74: {  	s1 =	rddreg [dreg:$0x1];
	p0 =	sne.s32 s2, $0x0  }
0x75: {  	s3 =	rddreg [dreg:$0x2];
	[bflag:$0x3] =	sbarrier.arrive $0xFFFF;
	s2 =	simm.s32 @!p0 $0x1C02  }
0x76: {  	[timem:s3], [sflag:s2] =	dma.local @!p0 [hbm:s0], s1  }
0x77: {  	s0 =	simm.s32 @!p0 $0x2  }
0x78: {  	_ =	swait.ge @!p0 [sflag:s0], s1  }
0x79: {  	s1 =	ssub.s32 @!p0 $0x0, s1;
	[sflag:s0] =	ssyncset.done @!p0 $0x0  }
0x7a: {  	[sflag:s0] =	ssyncadd.s32 @!p0 s1  }
0x7b: {  	[bflag:$0x3] =	sbarrier.arrive $0xFFFF  }
0x7c: {  	_ =	shalt  }

</sc_bundles>
